<compile_context>
chip_gen: v7x
topology: tpu7x:2x2x1
jax: 0.10.2.dev20260603
libtpu: 0.0.44.dev20260713+nightly
codegen_flags: <defaults>
</compile_context>

<pallas_src>
import functools

import jax
import jax.numpy as jnp
from jax import lax
from jax.experimental import pallas as pl
from jax.experimental.pallas import tpu as pltpu
from jax.experimental.pallas import tpu_sc as plsc

DIM = 128
LANES = 16
CHUNK = 128
NBUF = 4


def _emb_body(t_per_w, seq_len, batch, num_cores,
              idx_hbm, tok_hbm, pos_hbm, out_hbm,
              idx_v, rows0, rows1, rows2, rows3, pos_v,
              sem_g, sem_o, sem_p):
  cid = lax.axis_index("c")
  sid = lax.axis_index("s")
  wid = sid * num_cores + cid
  t0 = wid * t_per_w
  n_rows = t_per_w * batch
  n_chunks = n_rows // CHUNK
  per_b = t_per_w // CHUNK
  n_groups = n_chunks // NBUF

  row_bufs = (rows0, rows1, rows2, rows3)

  def idx_slice(k):
    return idx_v.at[pl.ds(k * CHUNK, CHUNK)]

  def gather_cp(k, buf):
    return pltpu.make_async_copy(tok_hbm.at[idx_slice(k)], buf, sem_g)

  def write_cp(k, buf):
    b_row = k // per_b
    h = lax.rem(k, per_b)
    return pltpu.make_async_copy(
        buf, out_hbm.at[b_row, pl.ds(t0 + h * CHUNK, CHUNK)], sem_o)

  def add_pos(k, rows_v):
    p0 = lax.rem(k, per_b) * CHUNK

    def add_row(i, c):
      r = i * 2
      for u in range(2):
        for j in range(DIM // LANES):
          s = pl.ds(j * LANES, LANES)
          plsc.addupdate(rows_v.at[r + u, s], pos_v[p0 + r + u, s])
      return c

    lax.fori_loop(0, CHUNK // 2, add_row, 0)

  idx_cps = []
  for b in range(batch):
    cp = pltpu.make_async_copy(
        idx_hbm.at[b, pl.ds(t0, t_per_w)],
        idx_v.at[pl.ds(b * t_per_w, t_per_w)],
        sem_p,
    )
    cp.start()
    idx_cps.append(cp)
  for cp in idx_cps:
    cp.wait()

  for k in range(NBUF - 1):
    gather_cp(k, row_bufs[k]).start()
  pos_cp = pltpu.make_async_copy(pos_hbm.at[pl.ds(t0, t_per_w)], pos_v, sem_p)
  pos_cp.start()

  def group(g, carry):
    for b in range(NBUF):
      k = g * NBUF + b
      prev_buf = row_bufs[(b - 1) % NBUF]
      if b == 0:
        @pl.when(g >= 1)
        def _():
          write_cp(k - 1, prev_buf).wait()
        gather_cp(k + NBUF - 1, prev_buf).start()
      else:
        write_cp(k - 1, prev_buf).wait()

        @pl.when(k + NBUF - 1 < n_chunks)
        def _():
          gather_cp(k + NBUF - 1, prev_buf).start()
      gather_cp(k, row_bufs[b]).wait()
      if b == 0:
        @pl.when(g == 0)
        def _():
          pos_cp.wait()
      add_pos(k, row_bufs[b])
      write_cp(k, row_bufs[b]).start()
    return carry

  lax.fori_loop(0, n_groups, group, 0)
  write_cp(n_chunks - 1, row_bufs[NBUF - 1]).wait()


def kernel(idx, token_emb, pos_emb):
  B, T = idx.shape
  if idx.dtype != jnp.int32:
    idx = idx.astype(jnp.int32)
  info = plsc.get_sparse_core_info()
  num_workers = info.num_cores * info.num_subcores
  t_per_w = T // num_workers

  mesh = plsc.VectorSubcoreMesh(core_axis_name="c", subcore_axis_name="s")
  run = functools.partial(
      pl.kernel,
      mesh=mesh,
      out_type=jax.ShapeDtypeStruct((B, T, DIM), jnp.float32),
      scratch_types=[
          pltpu.VMEM((t_per_w * B,), jnp.int32),
          pltpu.VMEM((CHUNK, DIM), jnp.float32),
          pltpu.VMEM((CHUNK, DIM), jnp.float32),
          pltpu.VMEM((CHUNK, DIM), jnp.float32),
          pltpu.VMEM((CHUNK, DIM), jnp.float32),
          pltpu.VMEM((t_per_w, DIM), jnp.float32),
          pltpu.SemaphoreType.DMA,
          pltpu.SemaphoreType.DMA,
          pltpu.SemaphoreType.DMA,
      ],
  )(functools.partial(_emb_body, t_per_w, T, B, info.num_cores))

  return run(idx, token_emb, pos_emb)

# --- scband reference (transcript-rebuilt; emitter-appended) ---
"""Pipeline reference for scband-token-positional-embedding-80607946211935 (READ-ONLY COPY).

The authoritative reference and input builder live on the scoring server;
editing this copy changes nothing except your own understanding.
"""

import jax, jax.numpy as jnp
import numpy as np

VOCAB = 100000
DIM = 128
MAX_SEQ = 8192
B = 4
T = 8192

def setup_inputs(seed: int = 0) -> dict:
    key = jax.random.key(seed)
    k_idx, k_tok, k_pos = jax.random.split(key, 3)
    idx = jax.random.randint(k_idx, (B, T), 0, VOCAB, dtype=jnp.int64 if jax.config.jax_enable_x64 else jnp.int32)
    token_emb = jax.random.normal(k_tok, (VOCAB, DIM), dtype=jnp.float32)
    pos_emb = jax.random.normal(k_pos, (MAX_SEQ, DIM), dtype=jnp.float32) * 0.02
    return {"idx": idx, "token_emb": token_emb, "pos_emb": pos_emb}

def reference(idx, token_emb, pos_emb):
    Bv, Tv = idx.shape
    pos = jnp.arange(0, Tv)[None, :]  # [1, T]
    tok = jnp.take(token_emb, idx, axis=0)          # [B, T, D]
    pe = jnp.take(pos_emb, pos, axis=0)             # [1, T, D]
    x = tok + pe
    # dropout p=0.0 -> identity
    return x

if __name__ == "__main__":
    import jax
    _d = setup_inputs()
    print(jax.jit(kernel)(*tuple(_d.values())))

</pallas_src>

<mosaic_0001>
#map = affine_map<(d0, d1) -> (0, 0)>
#map1 = affine_map<(d0, d1) -> (0, 0, 0)>
module attributes {stable_mosaic.version = 14 : i64} {
  func.func @_emb_body(%arg0: i32, %arg1: i32, %arg2: memref<4x8192xi32, #tpu.memory_space<hbm>>, %arg3: memref<100000x128xf32, #tpu.memory_space<hbm>>, %arg4: memref<8192x128xf32, #tpu.memory_space<hbm>>, %arg5: memref<4x8192x128xf32, #tpu.memory_space<hbm>>, %arg6: memref<1024xi32, #tpu.memory_space<vmem>>, %arg7: memref<128x128xf32, #tpu.memory_space<vmem>>, %arg8: memref<128x128xf32, #tpu.memory_space<vmem>>, %arg9: memref<128x128xf32, #tpu.memory_space<vmem>>, %arg10: memref<128x128xf32, #tpu.memory_space<vmem>>, %arg11: memref<256x128xf32, #tpu.memory_space<vmem>>, %arg12: memref<!tpu.dma_semaphore, #tpu.memory_space<semaphore_mem>>, %arg13: memref<!tpu.dma_semaphore, #tpu.memory_space<semaphore_mem>>, %arg14: memref<!tpu.dma_semaphore, #tpu.memory_space<semaphore_mem>>) attributes {dimension_semantics = [#tpu.dimension_semantics<core_parallel>, #tpu.dimension_semantics<subcore_parallel>], iteration_bounds = array<i64: 2, 16>, scalar_prefetch = 0 : i64, scratch_operands = 9 : i64, tpu.core_type = #tpu.core_type<sc_vector_subcore>, window_params = [{transform_indices = #map}, {transform_indices = #map}, {transform_indices = #map}, {transform_indices = #map1}]} {
    %mul3A = arith.constant 2 : i32
    %mul3A_0 = arith.muli %arg1, %mul3A : i32
    %add3A = arith.addi %mul3A_0, %arg0 : i32
    %mul3A_1 = arith.constant 256 : i32
    %mul3A_2 = arith.muli %add3A, %mul3A_1 : i32
    %dma_start3A = arith.constant 0 : i32
    %dma_start3A_3 = arith.constant 0 : i32
    %dma_start3A_4 = tpu.memref_slice %arg6[%dma_start3A_3] : memref<1024xi32, #tpu.memory_space<vmem>> -> memref<256xi32, #tpu.memory_space<vmem>>
    %dma_start3A_5 = tpu.memref_slice %arg2[%dma_start3A, %mul3A_2] : memref<4x8192xi32, #tpu.memory_space<hbm>> -> memref<1x256xi32, #tpu.memory_space<hbm>>
    %dma_start3A_6 = tpu.memref_squeeze %dma_start3A_5 : memref<1x256xi32, #tpu.memory_space<hbm>> -> memref<256xi32, #tpu.memory_space<hbm>>
    %dma_start3A_7 = arith.constant 0 : i32
    %dma_start3A_8 = tpu.memref_slice %arg6[%dma_start3A_7] : memref<1024xi32, #tpu.memory_space<vmem>> -> memref<256xi32, #tpu.memory_space<vmem>>
    %dma_start3A_9 = tpu.memref_slice %arg2[%dma_start3A, %mul3A_2] : memref<4x8192xi32, #tpu.memory_space<hbm>> -> memref<1x256xi32, #tpu.memory_space<hbm>>
    %dma_start3A_10 = tpu.memref_squeeze %dma_start3A_9 : memref<1x256xi32, #tpu.memory_space<hbm>> -> memref<256xi32, #tpu.memory_space<hbm>>
    tpu.enqueue_dma source(%dma_start3A_10 : memref<256xi32, #tpu.memory_space<hbm>>) target(%dma_start3A_8 : memref<256xi32, #tpu.memory_space<vmem>>) target_semaphore(%arg14 : memref<!tpu.dma_semaphore, #tpu.memory_space<semaphore_mem>>)
    %dma_start3A_11 = arith.constant 1 : i32
    %dma_start3A_12 = arith.constant 256 : i32
    %dma_start3A_13 = tpu.memref_slice %arg6[%dma_start3A_12] : memref<1024xi32, #tpu.memory_space<vmem>> -> memref<256xi32, #tpu.memory_space<vmem>>
    %dma_start3A_14 = tpu.memref_slice %arg2[%dma_start3A_11, %mul3A_2] : memref<4x8192xi32, #tpu.memory_space<hbm>> -> memref<1x256xi32, #tpu.memory_space<hbm>>
    %dma_start3A_15 = tpu.memref_squeeze %dma_start3A_14 : memref<1x256xi32, #tpu.memory_space<hbm>> -> memref<256xi32, #tpu.memory_space<hbm>>
    %dma_start3A_16 = arith.constant 256 : i32
    %dma_start3A_17 = tpu.memref_slice %arg6[%dma_start3A_16] : memref<1024xi32, #tpu.memory_space<vmem>> -> memref<256xi32, #tpu.memory_space<vmem>>
    %dma_start3A_18 = tpu.memref_slice %arg2[%dma_start3A_11, %mul3A_2] : memref<4x8192xi32, #tpu.memory_space<hbm>> -> memref<1x256xi32, #tpu.memory_space<hbm>>
    %dma_start3A_19 = tpu.memref_squeeze %dma_start3A_18 : memref<1x256xi32, #tpu.memory_space<hbm>> -> memref<256xi32, #tpu.memory_space<hbm>>
    tpu.enqueue_dma source(%dma_start3A_19 : memref<256xi32, #tpu.memory_space<hbm>>) target(%dma_start3A_17 : memref<256xi32, #tpu.memory_space<vmem>>) target_semaphore(%arg14 : memref<!tpu.dma_semaphore, #tpu.memory_space<semaphore_mem>>)
    %dma_start3A_20 = arith.constant 2 : i32
    %dma_start3A_21 = arith.constant 512 : i32
    %dma_start3A_22 = tpu.memref_slice %arg6[%dma_start3A_21] : memref<1024xi32, #tpu.memory_space<vmem>> -> memref<256xi32, #tpu.memory_space<vmem>>
    %dma_start3A_23 = tpu.memref_slice %arg2[%dma_start3A_20, %mul3A_2] : memref<4x8192xi32, #tpu.memory_space<hbm>> -> memref<1x256xi32, #tpu.memory_space<hbm>>
    %dma_start3A_24 = tpu.memref_squeeze %dma_start3A_23 : memref<1x256xi32, #tpu.memory_space<hbm>> -> memref<256xi32, #tpu.memory_space<hbm>>
    %dma_start3A_25 = arith.constant 512 : i32
    %dma_start3A_26 = tpu.memref_slice %arg6[%dma_start3A_25] : memref<1024xi32, #tpu.memory_space<vmem>> -> memref<256xi32, #tpu.memory_space<vmem>>
    %dma_start3A_27 = tpu.memref_slice %arg2[%dma_start3A_20, %mul3A_2] : memref<4x8192xi32, #tpu.memory_space<hbm>> -> memref<1x256xi32, #tpu.memory_space<hbm>>
    %dma_start3A_28 = tpu.memref_squeeze %dma_start3A_27 : memref<1x256xi32, #tpu.memory_space<hbm>> -> memref<256xi32, #tpu.memory_space<hbm>>
    tpu.enqueue_dma source(%dma_start3A_28 : memref<256xi32, #tpu.memory_space<hbm>>) target(%dma_start3A_26 : memref<256xi32, #tpu.memory_space<vmem>>) target_semaphore(%arg14 : memref<!tpu.dma_semaphore, #tpu.memory_space<semaphore_mem>>)
    %dma_start3A_29 = arith.constant 3 : i32
    %dma_start3A_30 = arith.constant 768 : i32
    %dma_start3A_31 = tpu.memref_slice %arg6[%dma_start3A_30] : memref<1024xi32, #tpu.memory_space<vmem>> -> memref<256xi32, #tpu.memory_space<vmem>>
    %dma_start3A_32 = tpu.memref_slice %arg2[%dma_start3A_29, %mul3A_2] : memref<4x8192xi32, #tpu.memory_space<hbm>> -> memref<1x256xi32, #tpu.memory_space<hbm>>
    %dma_start3A_33 = tpu.memref_squeeze %dma_start3A_32 : memref<1x256xi32, #tpu.memory_space<hbm>> -> memref<256xi32, #tpu.memory_space<hbm>>
    %dma_start3A_34 = arith.constant 768 : i32
    %dma_start3A_35 = tpu.memref_slice %arg6[%dma_start3A_34] : memref<1024xi32, #tpu.memory_space<vmem>> -> memref<256xi32, #tpu.memory_space<vmem>>
    %dma_start3A_36 = tpu.memref_slice %arg2[%dma_start3A_29, %mul3A_2] : memref<4x8192xi32, #tpu.memory_space<hbm>> -> memref<1x256xi32, #tpu.memory_space<hbm>>
    %dma_start3A_37 = tpu.memref_squeeze %dma_start3A_36 : memref<1x256xi32, #tpu.memory_space<hbm>> -> memref<256xi32, #tpu.memory_space<hbm>>
    tpu.enqueue_dma source(%dma_start3A_37 : memref<256xi32, #tpu.memory_space<hbm>>) target(%dma_start3A_35 : memref<256xi32, #tpu.memory_space<vmem>>) target_semaphore(%arg14 : memref<!tpu.dma_semaphore, #tpu.memory_space<semaphore_mem>>)
    %dma_wait3A = arith.constant 0 : i32
    %dma_wait3A_38 = arith.constant 0 : i32
    %dma_wait3A_39 = tpu.memref_slice %arg6[%dma_wait3A_38] : memref<1024xi32, #tpu.memory_space<vmem>> -> memref<256xi32, #tpu.memory_space<vmem>>
    %dma_wait3A_40 = tpu.memref_slice %arg2[%dma_wait3A, %mul3A_2] : memref<4x8192xi32, #tpu.memory_space<hbm>> -> memref<1x256xi32, #tpu.memory_space<hbm>>
    %dma_wait3A_41 = tpu.memref_squeeze %dma_wait3A_40 : memref<1x256xi32, #tpu.memory_space<hbm>> -> memref<256xi32, #tpu.memory_space<hbm>>
    %dma_wait3A_42 = arith.constant 0 : i32
    %dma_wait3A_43 = tpu.memref_slice %arg6[%dma_wait3A_42] : memref<1024xi32, #tpu.memory_space<vmem>> -> memref<256xi32, #tpu.memory_space<vmem>>
    %dma_wait3A_44 = tpu.memref_slice %arg2[%dma_wait3A, %mul3A_2] : memref<4x8192xi32, #tpu.memory_space<hbm>> -> memref<1x256xi32, #tpu.memory_space<hbm>>
    %dma_wait3A_45 = tpu.memref_squeeze %dma_wait3A_44 : memref<1x256xi32, #tpu.memory_space<hbm>> -> memref<256xi32, #tpu.memory_space<hbm>>
    tpu.wait_dma2 semaphore(%arg14 : memref<!tpu.dma_semaphore, #tpu.memory_space<semaphore_mem>>) src(%dma_wait3A_45 : memref<256xi32, #tpu.memory_space<hbm>>) dst(%dma_wait3A_43 : memref<256xi32, #tpu.memory_space<vmem>>)
    %dma_wait3A_46 = arith.constant 1 : i32
    %dma_wait3A_47 = arith.constant 256 : i32
    %dma_wait3A_48 = tpu.memref_slice %arg6[%dma_wait3A_47] : memref<1024xi32, #tpu.memory_space<vmem>> -> memref<256xi32, #tpu.memory_space<vmem>>
    %dma_wait3A_49 = tpu.memref_slice %arg2[%dma_wait3A_46, %mul3A_2] : memref<4x8192xi32, #tpu.memory_space<hbm>> -> memref<1x256xi32, #tpu.memory_space<hbm>>
    %dma_wait3A_50 = tpu.memref_squeeze %dma_wait3A_49 : memref<1x256xi32, #tpu.memory_space<hbm>> -> memref<256xi32, #tpu.memory_space<hbm>>
    %dma_wait3A_51 = arith.constant 256 : i32
    %dma_wait3A_52 = tpu.memref_slice %arg6[%dma_wait3A_51] : memref<1024xi32, #tpu.memory_space<vmem>> -> memref<256xi32, #tpu.memory_space<vmem>>
    %dma_wait3A_53 = tpu.memref_slice %arg2[%dma_wait3A_46, %mul3A_2] : memref<4x8192xi32, #tpu.memory_space<hbm>> -> memref<1x256xi32, #tpu.memory_space<hbm>>
    %dma_wait3A_54 = tpu.memref_squeeze %dma_wait3A_53 : memref<1x256xi32, #tpu.memory_space<hbm>> -> memref<256xi32, #tpu.memory_space<hbm>>
    tpu.wait_dma2 semaphore(%arg14 : memref<!tpu.dma_semaphore, #tpu.memory_space<semaphore_mem>>) src(%dma_wait3A_54 : memref<256xi32, #tpu.memory_space<hbm>>) dst(%dma_wait3A_52 : memref<256xi32, #tpu.memory_space<vmem>>)
    %dma_wait3A_55 = arith.constant 2 : i32
    %dma_wait3A_56 = arith.constant 512 : i32
    %dma_wait3A_57 = tpu.memref_slice %arg6[%dma_wait3A_56] : memref<1024xi32, #tpu.memory_space<vmem>> -> memref<256xi32, #tpu.memory_space<vmem>>
    %dma_wait3A_58 = tpu.memref_slice %arg2[%dma_wait3A_55, %mul3A_2] : memref<4x8192xi32, #tpu.memory_space<hbm>> -> memref<1x256xi32, #tpu.memory_space<hbm>>
    %dma_wait3A_59 = tpu.memref_squeeze %dma_wait3A_58 : memref<1x256xi32, #tpu.memory_space<hbm>> -> memref<256xi32, #tpu.memory_space<hbm>>
    %dma_wait3A_60 = arith.constant 512 : i32
    %dma_wait3A_61 = tpu.memref_slice %arg6[%dma_wait3A_60] : memref<1024xi32, #tpu.memory_space<vmem>> -> memref<256xi32, #tpu.memory_space<vmem>>
    %dma_wait3A_62 = tpu.memref_slice %arg2[%dma_wait3A_55, %mul3A_2] : memref<4x8192xi32, #tpu.memory_space<hbm>> -> memref<1x256xi32, #tpu.memory_space<hbm>>
    %dma_wait3A_63 = tpu.memref_squeeze %dma_wait3A_62 : memref<1x256xi32, #tpu.memory_space<hbm>> -> memref<256xi32, #tpu.memory_space<hbm>>
    tpu.wait_dma2 semaphore(%arg14 : memref<!tpu.dma_semaphore, #tpu.memory_space<semaphore_mem>>) src(%dma_wait3A_63 : memref<256xi32, #tpu.memory_space<hbm>>) dst(%dma_wait3A_61 : memref<256xi32, #tpu.memory_space<vmem>>)
    %dma_wait3A_64 = arith.constant 3 : i32
    %dma_wait3A_65 = arith.constant 768 : i32
    %dma_wait3A_66 = tpu.memref_slice %arg6[%dma_wait3A_65] : memref<1024xi32, #tpu.memory_space<vmem>> -> memref<256xi32, #tpu.memory_space<vmem>>
    %dma_wait3A_67 = tpu.memref_slice %arg2[%dma_wait3A_64, %mul3A_2] : memref<4x8192xi32, #tpu.memory_space<hbm>> -> memref<1x256xi32, #tpu.memory_space<hbm>>
    %dma_wait3A_68 = tpu.memref_squeeze %dma_wait3A_67 : memref<1x256xi32, #tpu.memory_space<hbm>> -> memref<256xi32, #tpu.memory_space<hbm>>
    %dma_wait3A_69 = arith.constant 768 : i32
    %dma_wait3A_70 = tpu.memref_slice %arg6[%dma_wait3A_69] : memref<1024xi32, #tpu.memory_space<vmem>> -> memref<256xi32, #tpu.memory_space<vmem>>
    %dma_wait3A_71 = tpu.memref_slice %arg2[%dma_wait3A_64, %mul3A_2] : memref<4x8192xi32, #tpu.memory_space<hbm>> -> memref<1x256xi32, #tpu.memory_space<hbm>>
    %dma_wait3A_72 = tpu.memref_squeeze %dma_wait3A_71 : memref<1x256xi32, #tpu.memory_space<hbm>> -> memref<256xi32, #tpu.memory_space<hbm>>
    tpu.wait_dma2 semaphore(%arg14 : memref<!tpu.dma_semaphore, #tpu.memory_space<semaphore_mem>>) src(%dma_wait3A_72 : memref<256xi32, #tpu.memory_space<hbm>>) dst(%dma_wait3A_70 : memref<256xi32, #tpu.memory_space<vmem>>)
    %dma_start3A_73 = arith.constant 0 : i32
    %dma_start3A_74 = tpu.memref_slice %arg6[%dma_start3A_73] : memref<1024xi32, #tpu.memory_space<vmem>> -> memref<128xi32, #tpu.memory_space<vmem>>
    %dma_start3A_75 = arith.constant 0 : i32
    %dma_start3A_76 = arith.constant 0 : i32
    %dma_start3A_77 = tpu.memref_slice %arg3[%dma_start3A_75, %dma_start3A_76] : memref<100000x128xf32, #tpu.memory_space<hbm>> -> memref<100000x128xf32, #tpu.memory_space<hbm>>
    tpu.enqueue_indirect_dma source(%dma_start3A_77 : memref<100000x128xf32, #tpu.memory_space<hbm>>) target(%arg7 : memref<128x128xf32, #tpu.memory_space<vmem>>) offsets(%dma_start3A_74 : memref<128xi32, #tpu.memory_space<vmem>>) semaphore(%arg12 : memref<!tpu.dma_semaphore, #tpu.memory_space<semaphore_mem>>)
    %dma_start3A_78 = arith.constant 128 : i32
    %dma_start3A_79 = tpu.memref_slice %arg6[%dma_start3A_78] : memref<1024xi32, #tpu.memory_space<vmem>> -> memref<128xi32, #tpu.memory_space<vmem>>
    %dma_start3A_80 = arith.constant 0 : i32
    %dma_start3A_81 = arith.constant 0 : i32
    %dma_start3A_82 = tpu.memref_slice %arg3[%dma_start3A_80, %dma_start3A_81] : memref<100000x128xf32, #tpu.memory_space<hbm>> -> memref<100000x128xf32, #tpu.memory_space<hbm>>
    tpu.enqueue_indirect_dma source(%dma_start3A_82 : memref<100000x128xf32, #tpu.memory_space<hbm>>) target(%arg8 : memref<128x128xf32, #tpu.memory_space<vmem>>) offsets(%dma_start3A_79 : memref<128xi32, #tpu.memory_space<vmem>>) semaphore(%arg12 : memref<!tpu.dma_semaphore, #tpu.memory_space<semaphore_mem>>)
    %dma_start3A_83 = arith.constant 256 : i32
    %dma_start3A_84 = tpu.memref_slice %arg6[%dma_start3A_83] : memref<1024xi32, #tpu.memory_space<vmem>> -> memref<128xi32, #tpu.memory_space<vmem>>
    %dma_start3A_85 = arith.constant 0 : i32
    %dma_start3A_86 = arith.constant 0 : i32
    %dma_start3A_87 = tpu.memref_slice %arg3[%dma_start3A_85, %dma_start3A_86] : memref<100000x128xf32, #tpu.memory_space<hbm>> -> memref<100000x128xf32, #tpu.memory_space<hbm>>
    tpu.enqueue_indirect_dma source(%dma_start3A_87 : memref<100000x128xf32, #tpu.memory_space<hbm>>) target(%arg9 : memref<128x128xf32, #tpu.memory_space<vmem>>) offsets(%dma_start3A_84 : memref<128xi32, #tpu.memory_space<vmem>>) semaphore(%arg12 : memref<!tpu.dma_semaphore, #tpu.memory_space<semaphore_mem>>)
    %dma_start3A_88 = arith.constant 0 : i32
    %dma_start3A_89 = tpu.memref_slice %arg4[%mul3A_2, %dma_start3A_88] : memref<8192x128xf32, #tpu.memory_space<hbm>> -> memref<256x128xf32, #tpu.memory_space<hbm>>
    %dma_start3A_90 = arith.constant 0 : i32
    %dma_start3A_91 = tpu.memref_slice %arg4[%mul3A_2, %dma_start3A_90] : memref<8192x128xf32, #tpu.memory_space<hbm>> -> memref<256x128xf32, #tpu.memory_space<hbm>>
    tpu.enqueue_dma source(%dma_start3A_91 : memref<256x128xf32, #tpu.memory_space<hbm>>) target(%arg11 : memref<256x128xf32, #tpu.memory_space<vmem>>) target_semaphore(%arg14 : memref<!tpu.dma_semaphore, #tpu.memory_space<semaphore_mem>>)
    %scan3A = arith.constant 0 : i32
    %scan3A_92 = arith.constant 0 : i32
    %scan3A_93 = arith.constant 2 : i32
    %scan3A_94 = arith.addi %scan3A_92, %scan3A_93 : i32
    %scan3A_95 = arith.constant 1 : i32
    scf.for %scan3A_109 = %scan3A_92 to %scan3A_94 step %scan3A_95  : i32 {
      %mul3A_110 = arith.constant 4 : i32
      %mul3A_111 = arith.muli %scan3A_109, %mul3A_110 : i32
      %add3A_112 = arith.constant 0 : i32
      %add3A_113 = arith.addi %mul3A_111, %add3A_112 : i32
      %ge3A = arith.constant 1 : i32
      %ge3A_114 = arith.cmpi sge, %scan3A_109, %ge3A : i32
      %convert_element_type3A = arith.extui %ge3A_114 : i1 to i32
      %cond3A = arith.constant 0 : i32
      %cond3A_115 = arith.cmpi ne, %convert_element_type3A, %cond3A : i32
      scf.if %cond3A_115 {
        %sub3A_476 = arith.constant 1 : i32
        %sub3A_477 = arith.subi %add3A_113, %sub3A_476 : i32
        %jit3A_478 = arith.constant 2 : i32
        %div3A_479 = arith.divsi %sub3A_477, %jit3A_478 : i32
        %sign3A_480 = arith.constant 0 : i32
        %sign3A_481 = arith.cmpi sgt, %sub3A_477, %sign3A_480 : i32
        %sign3A_482 = arith.extui %sign3A_481 : i1 to i32
        %sign3A_483 = arith.constant 0 : i32
        %sign3A_484 = arith.cmpi slt, %sub3A_477, %sign3A_483 : i32
        %sign3A_485 = arith.extui %sign3A_484 : i1 to i32
        %sign3A_486 = arith.subi %sign3A_482, %sign3A_485 : i32
        %sign3A_487 = arith.constant 0 : i32
        %sign3A_488 = arith.cmpi sgt, %jit3A_478, %sign3A_487 : i32
        %sign3A_489 = arith.extui %sign3A_488 : i1 to i32
        %sign3A_490 = arith.constant 0 : i32
        %sign3A_491 = arith.cmpi slt, %jit3A_478, %sign3A_490 : i32
        %sign3A_492 = arith.extui %sign3A_491 : i1 to i32
        %sign3A_493 = arith.subi %sign3A_489, %sign3A_492 : i32
        %ne3A_494 = arith.cmpi ne, %sign3A_486, %sign3A_493 : i32
        %rem3A_495 = arith.remsi %sub3A_477, %jit3A_478 : i32
        %ne3A_496 = arith.constant 0 : i32
        %ne3A_497 = arith.cmpi ne, %rem3A_495, %ne3A_496 : i32
        %and3A_498 = arith.andi %ne3A_494, %ne3A_497 : i1
        %sub3A_499 = arith.constant 1 : i32
        %sub3A_500 = arith.subi %div3A_479, %sub3A_499 : i32
        %select_n3A_501 = arith.select %and3A_498, %sub3A_500, %div3A_479 : i32
        %rem3A_502 = arith.constant 2 : i32
        %rem3A_503 = arith.remsi %sub3A_477, %rem3A_502 : i32
        %mul3A_504 = arith.constant 128 : i32
        %mul3A_505 = arith.muli %rem3A_503, %mul3A_504 : i32
        %add3A_506 = arith.addi %mul3A_2, %mul3A_505 : i32
        %dma_wait3A_507 = arith.constant 0 : i32
        %dma_wait3A_508 = tpu.memref_slice %arg5[%select_n3A_501, %add3A_506, %dma_wait3A_507] : memref<4x8192x128xf32, #tpu.memory_space<hbm>> -> memref<1x128x128xf32, #tpu.memory_space<hbm>>
        %dma_wait3A_509 = tpu.memref_squeeze %dma_wait3A_508 : memref<1x128x128xf32, #tpu.memory_space<hbm>> -> memref<128x128xf32, #tpu.memory_space<hbm>>
        %dma_wait3A_510 = arith.constant 0 : i32
        %dma_wait3A_511 = tpu.memref_slice %arg5[%select_n3A_501, %add3A_506, %dma_wait3A_510] : memref<4x8192x128xf32, #tpu.memory_space<hbm>> -> memref<1x128x128xf32, #tpu.memory_space<hbm>>
        %dma_wait3A_512 = tpu.memref_squeeze %dma_wait3A_511 : memref<1x128x128xf32, #tpu.memory_space<hbm>> -> memref<128x128xf32, #tpu.memory_space<hbm>>
        tpu.wait_dma2 semaphore(%arg13 : memref<!tpu.dma_semaphore, #tpu.memory_space<semaphore_mem>>) src(%arg10 : memref<128x128xf32, #tpu.memory_space<vmem>>) dst(%dma_wait3A_512 : memref<128x128xf32, #tpu.memory_space<hbm>>)
      } else {
      }
      %add3A_116 = arith.constant 4 : i32
      %add3A_117 = arith.addi %add3A_113, %add3A_116 : i32
      %sub3A = arith.constant 1 : i32
      %sub3A_118 = arith.subi %add3A_117, %sub3A : i32
      %mul3A_119 = arith.constant 128 : i32
      %mul3A_120 = arith.muli %sub3A_118, %mul3A_119 : i32
      %dma_start3A_121 = tpu.memref_slice %arg6[%mul3A_120] : memref<1024xi32, #tpu.memory_space<vmem>> -> memref<128xi32, #tpu.memory_space<vmem>>
      %dma_start3A_122 = arith.constant 0 : i32
      %dma_start3A_123 = arith.constant 0 : i32
      %dma_start3A_124 = tpu.memref_slice %arg3[%dma_start3A_122, %dma_start3A_123] : memref<100000x128xf32, #tpu.memory_space<hbm>> -> memref<100000x128xf32, #tpu.memory_space<hbm>>
      tpu.enqueue_indirect_dma source(%dma_start3A_124 : memref<100000x128xf32, #tpu.memory_space<hbm>>) target(%arg10 : memref<128x128xf32, #tpu.memory_space<vmem>>) offsets(%dma_start3A_121 : memref<128xi32, #tpu.memory_space<vmem>>) semaphore(%arg12 : memref<!tpu.dma_semaphore, #tpu.memory_space<semaphore_mem>>)
      %mul3A_125 = arith.constant 128 : i32
      %mul3A_126 = arith.muli %add3A_113, %mul3A_125 : i32
      %dma_wait3A_127 = tpu.memref_slice %arg6[%mul3A_126] : memref<1024xi32, #tpu.memory_space<vmem>> -> memref<128xi32, #tpu.memory_space<vmem>>
      %dma_wait3A_128 = arith.constant 0 : i32
      %dma_wait3A_129 = arith.constant 0 : i32
      %dma_wait3A_130 = tpu.memref_slice %arg3[%dma_wait3A_128, %dma_wait3A_129] : memref<100000x128xf32, #tpu.memory_space<hbm>> -> memref<100000x128xf32, #tpu.memory_space<hbm>>
      tpu.wait_indirect_dma semaphore(%arg12 : memref<!tpu.dma_semaphore, #tpu.memory_space<semaphore_mem>>) src(%dma_wait3A_130 : memref<100000x128xf32, #tpu.memory_space<hbm>>) dst(%arg7 : memref<128x128xf32, #tpu.memory_space<vmem>>)
      %eq3A = arith.constant 0 : i32
      %eq3A_131 = arith.cmpi eq, %scan3A_109, %eq3A : i32
      %convert_element_type3A_132 = arith.extui %eq3A_131 : i1 to i32
      %cond3A_133 = arith.constant 0 : i32
      %cond3A_134 = arith.cmpi ne, %convert_element_type3A_132, %cond3A_133 : i32
      scf.if %cond3A_134 {
        %dma_wait3A_476 = arith.constant 0 : i32
        %dma_wait3A_477 = tpu.memref_slice %arg4[%mul3A_2, %dma_wait3A_476] : memref<8192x128xf32, #tpu.memory_space<hbm>> -> memref<256x128xf32, #tpu.memory_space<hbm>>
        %dma_wait3A_478 = arith.constant 0 : i32
        %dma_wait3A_479 = tpu.memref_slice %arg4[%mul3A_2, %dma_wait3A_478] : memref<8192x128xf32, #tpu.memory_space<hbm>> -> memref<256x128xf32, #tpu.memory_space<hbm>>
        tpu.wait_dma2 semaphore(%arg14 : memref<!tpu.dma_semaphore, #tpu.memory_space<semaphore_mem>>) src(%dma_wait3A_479 : memref<256x128xf32, #tpu.memory_space<hbm>>) dst(%arg11 : memref<256x128xf32, #tpu.memory_space<vmem>>)
      } else {
      }
      %rem3A_135 = arith.constant 2 : i32
      %rem3A_136 = arith.remsi %add3A_113, %rem3A_135 : i32
      %mul3A_137 = arith.constant 128 : i32
      %mul3A_138 = arith.muli %rem3A_136, %mul3A_137 : i32
      %scan3A_139 = arith.constant 0 : i32
      %scan3A_140 = arith.constant 0 : i32
      %scan3A_141 = arith.constant 64 : i32
      %scan3A_142 = arith.addi %scan3A_140, %scan3A_141 : i32
      %scan3A_143 = arith.constant 1 : i32
      scf.for %scan3A_476 = %scan3A_140 to %scan3A_142 step %scan3A_143  : i32 {
        %mul3A_477 = arith.constant 2 : i32
        %mul3A_478 = arith.muli %scan3A_476, %mul3A_477 : i32
        %add3A_479 = arith.constant 0 : i32
        %add3A_480 = arith.addi %mul3A_478, %add3A_479 : i32
        %add3A_481 = arith.addi %mul3A_138, %mul3A_478 : i32
        %add3A_482 = arith.constant 0 : i32
        %add3A_483 = arith.addi %add3A_481, %add3A_482 : i32
        %get3A = arith.index_cast %add3A_483 : i32 to index
        %get3A_484 = arith.constant 0 : index
        %get3A_485 = tpu.vector_load %arg11[%get3A, %get3A_484] {strides = array<i32>} : memref<256x128xf32, #tpu.memory_space<vmem>>, vector<1x16xf32>,
        %get3A_486 = vector.shape_cast %get3A_485 : vector<1x16xf32> to vector<16xf32>
        %swap3A = arith.index_cast %add3A_480 : i32 to index
        %swap3A_487 = arith.constant 0 : index
        %swap3A_488 = tpu.vector_load %arg7[%swap3A, %swap3A_487] {strides = array<i32>} : memref<128x128xf32, #tpu.memory_space<vmem>>, vector<1x16xf32>,
        %swap3A_489 = vector.shape_cast %swap3A_488 : vector<1x16xf32> to vector<16xf32>
        %swap3A_490 = vector.shape_cast %get3A_486 : vector<16xf32> to vector<1x16xf32>
        tpu.vector_store %arg7[%swap3A, %swap3A_487], %swap3A_490 {add = true, strides = array<i32>} : memref<128x128xf32, #tpu.memory_space<vmem>>, vector<1x16xf32>,
        %add3A_491 = arith.constant 0 : i32
        %add3A_492 = arith.addi %mul3A_478, %add3A_491 : i32
        %add3A_493 = arith.addi %mul3A_138, %mul3A_478 : i32
        %add3A_494 = arith.constant 0 : i32
        %add3A_495 = arith.addi %add3A_493, %add3A_494 : i32
        %get3A_496 = arith.index_cast %add3A_495 : i32 to index
        %get3A_497 = arith.constant 16 : index
        %get3A_498 = tpu.vector_load %arg11[%get3A_496, %get3A_497] {strides = array<i32>} : memref<256x128xf32, #tpu.memory_space<vmem>>, vector<1x16xf32>,
        %get3A_499 = vector.shape_cast %get3A_498 : vector<1x16xf32> to vector<16xf32>
        %swap3A_500 = arith.index_cast %add3A_492 : i32 to index
        %swap3A_501 = arith.constant 16 : index
        %swap3A_502 = tpu.vector_load %arg7[%swap3A_500, %swap3A_501] {strides = array<i32>} : memref<128x128xf32, #tpu.memory_space<vmem>>, vector<1x16xf32>,
        %swap3A_503 = vector.shape_cast %swap3A_502 : vector<1x16xf32> to vector<16xf32>
        %swap3A_504 = vector.shape_cast %get3A_499 : vector<16xf32> to vector<1x16xf32>
        tpu.vector_store %arg7[%swap3A_500, %swap3A_501], %swap3A_504 {add = true, strides = array<i32>} : memref<128x128xf32, #tpu.memory_space<vmem>>, vector<1x16xf32>,
        %add3A_505 = arith.constant 0 : i32
        %add3A_506 = arith.addi %mul3A_478, %add3A_505 : i32
        %add3A_507 = arith.addi %mul3A_138, %mul3A_478 : i32
        %add3A_508 = arith.constant 0 : i32
        %add3A_509 = arith.addi %add3A_507, %add3A_508 : i32
        %get3A_510 = arith.index_cast %add3A_509 : i32 to index
        %get3A_511 = arith.constant 32 : index
        %get3A_512 = tpu.vector_load %arg11[%get3A_510, %get3A_511] {strides = array<i32>} : memref<256x128xf32, #tpu.memory_space<vmem>>, vector<1x16xf32>,
        %get3A_513 = vector.shape_cast %get3A_512 : vector<1x16xf32> to vector<16xf32>
        %swap3A_514 = arith.index_cast %add3A_506 : i32 to index
        %swap3A_515 = arith.constant 32 : index
        %swap3A_516 = tpu.vector_load %arg7[%swap3A_514, %swap3A_515] {strides = array<i32>} : memref<128x128xf32, #tpu.memory_space<vmem>>, vector<1x16xf32>,
        %swap3A_517 = vector.shape_cast %swap3A_516 : vector<1x16xf32> to vector<16xf32>
        %swap3A_518 = vector.shape_cast %get3A_513 : vector<16xf32> to vector<1x16xf32>
        tpu.vector_store %arg7[%swap3A_514, %swap3A_515], %swap3A_518 {add = true, strides = array<i32>} : memref<128x128xf32, #tpu.memory_space<vmem>>, vector<1x16xf32>,
        %add3A_519 = arith.constant 0 : i32
        %add3A_520 = arith.addi %mul3A_478, %add3A_519 : i32
        %add3A_521 = arith.addi %mul3A_138, %mul3A_478 : i32
        %add3A_522 = arith.constant 0 : i32
        %add3A_523 = arith.addi %add3A_521, %add3A_522 : i32
        %get3A_524 = arith.index_cast %add3A_523 : i32 to index
        %get3A_525 = arith.constant 48 : index
        %get3A_526 = tpu.vector_load %arg11[%get3A_524, %get3A_525] {strides = array<i32>} : memref<256x128xf32, #tpu.memory_space<vmem>>, vector<1x16xf32>,
        %get3A_527 = vector.shape_cast %get3A_526 : vector<1x16xf32> to vector<16xf32>
        %swap3A_528 = arith.index_cast %add3A_520 : i32 to index
        %swap3A_529 = arith.constant 48 : index
        %swap3A_530 = tpu.vector_load %arg7[%swap3A_528, %swap3A_529] {strides = array<i32>} : memref<128x128xf32, #tpu.memory_space<vmem>>, vector<1x16xf32>,
        %swap3A_531 = vector.shape_cast %swap3A_530 : vector<1x16xf32> to vector<16xf32>
        %swap3A_532 = vector.shape_cast %get3A_527 : vector<16xf32> to vector<1x16xf32>
        tpu.vector_store %arg7[%swap3A_528, %swap3A_529], %swap3A_532 {add = true, strides = array<i32>} : memref<128x128xf32, #tpu.memory_space<vmem>>, vector<1x16xf32>,
        %add3A_533 = arith.constant 0 : i32
        %add3A_534 = arith.addi %mul3A_478, %add3A_533 : i32
        %add3A_535 = arith.addi %mul3A_138, %mul3A_478 : i32
        %add3A_536 = arith.constant 0 : i32
        %add3A_537 = arith.addi %add3A_535, %add3A_536 : i32
        %get3A_538 = arith.index_cast %add3A_537 : i32 to index
        %get3A_539 = arith.constant 64 : index
        %get3A_540 = tpu.vector_load %arg11[%get3A_538, %get3A_539] {strides = array<i32>} : memref<256x128xf32, #tpu.memory_space<vmem>>, vector<1x16xf32>,
        %get3A_541 = vector.shape_cast %get3A_540 : vector<1x16xf32> to vector<16xf32>
        %swap3A_542 = arith.index_cast %add3A_534 : i32 to index
        %swap3A_543 = arith.constant 64 : index
        %swap3A_544 = tpu.vector_load %arg7[%swap3A_542, %swap3A_543] {strides = array<i32>} : memref<128x128xf32, #tpu.memory_space<vmem>>, vector<1x16xf32>,
        %swap3A_545 = vector.shape_cast %swap3A_544 : vector<1x16xf32> to vector<16xf32>
        %swap3A_546 = vector.shape_cast %get3A_541 : vector<16xf32> to vector<1x16xf32>
        tpu.vector_store %arg7[%swap3A_542, %swap3A_543], %swap3A_546 {add = true, strides = array<i32>} : memref<128x128xf32, #tpu.memory_space<vmem>>, vector<1x16xf32>,
        %add3A_547 = arith.constant 0 : i32
        %add3A_548 = arith.addi %mul3A_478, %add3A_547 : i32
        %add3A_549 = arith.addi %mul3A_138, %mul3A_478 : i32
        %add3A_550 = arith.constant 0 : i32
        %add3A_551 = arith.addi %add3A_549, %add3A_550 : i32
        %get3A_552 = arith.index_cast %add3A_551 : i32 to index
        %get3A_553 = arith.constant 80 : index
        %get3A_554 = tpu.vector_load %arg11[%get3A_552, %get3A_553] {strides = array<i32>} : memref<256x128xf32, #tpu.memory_space<vmem>>, vector<1x16xf32>,
        %get3A_555 = vector.shape_cast %get3A_554 : vector<1x16xf32> to vector<16xf32>
        %swap3A_556 = arith.index_cast %add3A_548 : i32 to index
        %swap3A_557 = arith.constant 80 : index
        %swap3A_558 = tpu.vector_load %arg7[%swap3A_556, %swap3A_557] {strides = array<i32>} : memref<128x128xf32, #tpu.memory_space<vmem>>, vector<1x16xf32>,
        %swap3A_559 = vector.shape_cast %swap3A_558 : vector<1x16xf32> to vector<16xf32>
        %swap3A_560 = vector.shape_cast %get3A_555 : vector<16xf32> to vector<1x16xf32>
        tpu.vector_store %arg7[%swap3A_556, %swap3A_557], %swap3A_560 {add = true, strides = array<i32>} : memref<128x128xf32, #tpu.memory_space<vmem>>, vector<1x16xf32>,
        %add3A_561 = arith.constant 0 : i32
        %add3A_562 = arith.addi %mul3A_478, %add3A_561 : i32
        %add3A_563 = arith.addi %mul3A_138, %mul3A_478 : i32
        %add3A_564 = arith.constant 0 : i32
        %add3A_565 = arith.addi %add3A_563, %add3A_564 : i32
        %get3A_566 = arith.index_cast %add3A_565 : i32 to index
        %get3A_567 = arith.constant 96 : index
        %get3A_568 = tpu.vector_load %arg11[%get3A_566, %get3A_567] {strides = array<i32>} : memref<256x128xf32, #tpu.memory_space<vmem>>, vector<1x16xf32>,
        %get3A_569 = vector.shape_cast %get3A_568 : vector<1x16xf32> to vector<16xf32>
        %swap3A_570 = arith.index_cast %add3A_562 : i32 to index
        %swap3A_571 = arith.constant 96 : index
        %swap3A_572 = tpu.vector_load %arg7[%swap3A_570, %swap3A_571] {strides = array<i32>} : memref<128x128xf32, #tpu.memory_space<vmem>>, vector<1x16xf32>,
        %swap3A_573 = vector.shape_cast %swap3A_572 : vector<1x16xf32> to vector<16xf32>
        %swap3A_574 = vector.shape_cast %get3A_569 : vector<16xf32> to vector<1x16xf32>
        tpu.vector_store %arg7[%swap3A_570, %swap3A_571], %swap3A_574 {add = true, strides = array<i32>} : memref<128x128xf32, #tpu.memory_space<vmem>>, vector<1x16xf32>,
        %add3A_575 = arith.constant 0 : i32
        %add3A_576 = arith.addi %mul3A_478, %add3A_575 : i32
        %add3A_577 = arith.addi %mul3A_138, %mul3A_478 : i32
        %add3A_578 = arith.constant 0 : i32
        %add3A_579 = arith.addi %add3A_577, %add3A_578 : i32
        %get3A_580 = arith.index_cast %add3A_579 : i32 to index
        %get3A_581 = arith.constant 112 : index
        %get3A_582 = tpu.vector_load %arg11[%get3A_580, %get3A_581] {strides = array<i32>} : memref<256x128xf32, #tpu.memory_space<vmem>>, vector<1x16xf32>,
        %get3A_583 = vector.shape_cast %get3A_582 : vector<1x16xf32> to vector<16xf32>
        %swap3A_584 = arith.index_cast %add3A_576 : i32 to index
        %swap3A_585 = arith.constant 112 : index
        %swap3A_586 = tpu.vector_load %arg7[%swap3A_584, %swap3A_585] {strides = array<i32>} : memref<128x128xf32, #tpu.memory_space<vmem>>, vector<1x16xf32>,
        %swap3A_587 = vector.shape_cast %swap3A_586 : vector<1x16xf32> to vector<16xf32>
        %swap3A_588 = vector.shape_cast %get3A_583 : vector<16xf32> to vector<1x16xf32>
        tpu.vector_store %arg7[%swap3A_584, %swap3A_585], %swap3A_588 {add = true, strides = array<i32>} : memref<128x128xf32, #tpu.memory_space<vmem>>, vector<1x16xf32>,
        %add3A_589 = arith.constant 1 : i32
        %add3A_590 = arith.addi %mul3A_478, %add3A_589 : i32
        %add3A_591 = arith.addi %mul3A_138, %mul3A_478 : i32
        %add3A_592 = arith.constant 1 : i32
        %add3A_593 = arith.addi %add3A_591, %add3A_592 : i32
        %get3A_594 = arith.index_cast %add3A_593 : i32 to index
        %get3A_595 = arith.constant 0 : index
        %get3A_596 = tpu.vector_load %arg11[%get3A_594, %get3A_595] {strides = array<i32>} : memref<256x128xf32, #tpu.memory_space<vmem>>, vector<1x16xf32>,
        %get3A_597 = vector.shape_cast %get3A_596 : vector<1x16xf32> to vector<16xf32>
        %swap3A_598 = arith.index_cast %add3A_590 : i32 to index
        %swap3A_599 = arith.constant 0 : index
        %swap3A_600 = tpu.vector_load %arg7[%swap3A_598, %swap3A_599] {strides = array<i32>} : memref<128x128xf32, #tpu.memory_space<vmem>>, vector<1x16xf32>,
        %swap3A_601 = vector.shape_cast %swap3A_600 : vector<1x16xf32> to vector<16xf32>
        %swap3A_602 = vector.shape_cast %get3A_597 : vector<16xf32> to vector<1x16xf32>
        tpu.vector_store %arg7[%swap3A_598, %swap3A_599], %swap3A_602 {add = true, strides = array<i32>} : memref<128x128xf32, #tpu.memory_space<vmem>>, vector<1x16xf32>,
        %add3A_603 = arith.constant 1 : i32
        %add3A_604 = arith.addi %mul3A_478, %add3A_603 : i32
        %add3A_605 = arith.addi %mul3A_138, %mul3A_478 : i32
        %add3A_606 = arith.constant 1 : i32
        %add3A_607 = arith.addi %add3A_605, %add3A_606 : i32
        %get3A_608 = arith.index_cast %add3A_607 : i32 to index
        %get3A_609 = arith.constant 16 : index
        %get3A_610 = tpu.vector_load %arg11[%get3A_608, %get3A_609] {strides = array<i32>} : memref<256x128xf32, #tpu.memory_space<vmem>>, vector<1x16xf32>,
        %get3A_611 = vector.shape_cast %get3A_610 : vector<1x16xf32> to vector<16xf32>
        %swap3A_612 = arith.index_cast %add3A_604 : i32 to index
        %swap3A_613 = arith.constant 16 : index
        %swap3A_614 = tpu.vector_load %arg7[%swap3A_612, %swap3A_613] {strides = array<i32>} : memref<128x128xf32, #tpu.memory_space<vmem>>, vector<1x16xf32>,
        %swap3A_615 = vector.shape_cast %swap3A_614 : vector<1x16xf32> to vector<16xf32>
        %swap3A_616 = vector.shape_cast %get3A_611 : vector<16xf32> to vector<1x16xf32>
        tpu.vector_store %arg7[%swap3A_612, %swap3A_613], %swap3A_616 {add = true, strides = array<i32>} : memref<128x128xf32, #tpu.memory_space<vmem>>, vector<1x16xf32>,
        %add3A_617 = arith.constant 1 : i32
        %add3A_618 = arith.addi %mul3A_478, %add3A_617 : i32
        %add3A_619 = arith.addi %mul3A_138, %mul3A_478 : i32
        %add3A_620 = arith.constant 1 : i32
        %add3A_621 = arith.addi %add3A_619, %add3A_620 : i32
        %get3A_622 = arith.index_cast %add3A_621 : i32 to index
        %get3A_623 = arith.constant 32 : index
        %get3A_624 = tpu.vector_load %arg11[%get3A_622, %get3A_623] {strides = array<i32>} : memref<256x128xf32, #tpu.memory_space<vmem>>, vector<1x16xf32>,
        %get3A_625 = vector.shape_cast %get3A_624 : vector<1x16xf32> to vector<16xf32>
        %swap3A_626 = arith.index_cast %add3A_618 : i32 to index
        %swap3A_627 = arith.constant 32 : index
        %swap3A_628 = tpu.vector_load %arg7[%swap3A_626, %swap3A_627] {strides = array<i32>} : memref<128x128xf32, #tpu.memory_space<vmem>>, vector<1x16xf32>,
        %swap3A_629 = vector.shape_cast %swap3A_628 : vector<1x16xf32> to vector<16xf32>
        %swap3A_630 = vector.shape_cast %get3A_625 : vector<16xf32> to vector<1x16xf32>
        tpu.vector_store %arg7[%swap3A_626, %swap3A_627], %swap3A_630 {add = true, strides = array<i32>} : memref<128x128xf32, #tpu.memory_space<vmem>>, vector<1x16xf32>,
        %add3A_631 = arith.constant 1 : i32
        %add3A_632 = arith.addi %mul3A_478, %add3A_631 : i32
        %add3A_633 = arith.addi %mul3A_138, %mul3A_478 : i32
        %add3A_634 = arith.constant 1 : i32
        %add3A_635 = arith.addi %add3A_633, %add3A_634 : i32
        %get3A_636 = arith.index_cast %add3A_635 : i32 to index
        %get3A_637 = arith.constant 48 : index
        %get3A_638 = tpu.vector_load %arg11[%get3A_636, %get3A_637] {strides = array<i32>} : memref<256x128xf32, #tpu.memory_space<vmem>>, vector<1x16xf32>,
        %get3A_639 = vector.shape_cast %get3A_638 : vector<1x16xf32> to vector<16xf32>
        %swap3A_640 = arith.index_cast %add3A_632 : i32 to index
        %swap3A_641 = arith.constant 48 : index
        %swap3A_642 = tpu.vector_load %arg7[%swap3A_640, %swap3A_641] {strides = array<i32>} : memref<128x128xf32, #tpu.memory_space<vmem>>, vector<1x16xf32>,
        %swap3A_643 = vector.shape_cast %swap3A_642 : vector<1x16xf32> to vector<16xf32>
        %swap3A_644 = vector.shape_cast %get3A_639 : vector<16xf32> to vector<1x16xf32>
        tpu.vector_store %arg7[%swap3A_640, %swap3A_641], %swap3A_644 {add = true, strides = array<i32>} : memref<128x128xf32, #tpu.memory_space<vmem>>, vector<1x16xf32>,
        %add3A_645 = arith.constant 1 : i32
        %add3A_646 = arith.addi %mul3A_478, %add3A_645 : i32
        %add3A_647 = arith.addi %mul3A_138, %mul3A_478 : i32
        %add3A_648 = arith.constant 1 : i32
        %add3A_649 = arith.addi %add3A_647, %add3A_648 : i32
        %get3A_650 = arith.index_cast %add3A_649 : i32 to index
        %get3A_651 = arith.constant 64 : index
        %get3A_652 = tpu.vector_load %arg11[%get3A_650, %get3A_651] {strides = array<i32>} : memref<256x128xf32, #tpu.memory_space<vmem>>, vector<1x16xf32>,
        %get3A_653 = vector.shape_cast %get3A_652 : vector<1x16xf32> to vector<16xf32>
        %swap3A_654 = arith.index_cast %add3A_646 : i32 to index
        %swap3A_655 = arith.constant 64 : index
        %swap3A_656 = tpu.vector_load %arg7[%swap3A_654, %swap3A_655] {strides = array<i32>} : memref<128x128xf32, #tpu.memory_space<vmem>>, vector<1x16xf32>,
        %swap3A_657 = vector.shape_cast %swap3A_656 : vector<1x16xf32> to vector<16xf32>
        %swap3A_658 = vector.shape_cast %get3A_653 : vector<16xf32> to vector<1x16xf32>
        tpu.vector_store %arg7[%swap3A_654, %swap3A_655], %swap3A_658 {add = true, strides = array<i32>} : memref<128x128xf32, #tpu.memory_space<vmem>>, vector<1x16xf32>,
        %add3A_659 = arith.constant 1 : i32
        %add3A_660 = arith.addi %mul3A_478, %add3A_659 : i32
        %add3A_661 = arith.addi %mul3A_138, %mul3A_478 : i32
        %add3A_662 = arith.constant 1 : i32
        %add3A_663 = arith.addi %add3A_661, %add3A_662 : i32
        %get3A_664 = arith.index_cast %add3A_663 : i32 to index
        %get3A_665 = arith.constant 80 : index
        %get3A_666 = tpu.vector_load %arg11[%get3A_664, %get3A_665] {strides = array<i32>} : memref<256x128xf32, #tpu.memory_space<vmem>>, vector<1x16xf32>,
        %get3A_667 = vector.shape_cast %get3A_666 : vector<1x16xf32> to vector<16xf32>
        %swap3A_668 = arith.index_cast %add3A_660 : i32 to index
        %swap3A_669 = arith.constant 80 : index
        %swap3A_670 = tpu.vector_load %arg7[%swap3A_668, %swap3A_669] {strides = array<i32>} : memref<128x128xf32, #tpu.memory_space<vmem>>, vector<1x16xf32>,
        %swap3A_671 = vector.shape_cast %swap3A_670 : vector<1x16xf32> to vector<16xf32>
        %swap3A_672 = vector.shape_cast %get3A_667 : vector<16xf32> to vector<1x16xf32>
        tpu.vector_store %arg7[%swap3A_668, %swap3A_669], %swap3A_672 {add = true, strides = array<i32>} : memref<128x128xf32, #tpu.memory_space<vmem>>, vector<1x16xf32>,
        %add3A_673 = arith.constant 1 : i32
        %add3A_674 = arith.addi %mul3A_478, %add3A_673 : i32
        %add3A_675 = arith.addi %mul3A_138, %mul3A_478 : i32
        %add3A_676 = arith.constant 1 : i32
        %add3A_677 = arith.addi %add3A_675, %add3A_676 : i32
        %get3A_678 = arith.index_cast %add3A_677 : i32 to index
        %get3A_679 = arith.constant 96 : index
        %get3A_680 = tpu.vector_load %arg11[%get3A_678, %get3A_679] {strides = array<i32>} : memref<256x128xf32, #tpu.memory_space<vmem>>, vector<1x16xf32>,
        %get3A_681 = vector.shape_cast %get3A_680 : vector<1x16xf32> to vector<16xf32>
        %swap3A_682 = arith.index_cast %add3A_674 : i32 to index
        %swap3A_683 = arith.constant 96 : index
        %swap3A_684 = tpu.vector_load %arg7[%swap3A_682, %swap3A_683] {strides = array<i32>} : memref<128x128xf32, #tpu.memory_space<vmem>>, vector<1x16xf32>,
        %swap3A_685 = vector.shape_cast %swap3A_684 : vector<1x16xf32> to vector<16xf32>
        %swap3A_686 = vector.shape_cast %get3A_681 : vector<16xf32> to vector<1x16xf32>
        tpu.vector_store %arg7[%swap3A_682, %swap3A_683], %swap3A_686 {add = true, strides = array<i32>} : memref<128x128xf32, #tpu.memory_space<vmem>>, vector<1x16xf32>,
        %add3A_687 = arith.constant 1 : i32
        %add3A_688 = arith.addi %mul3A_478, %add3A_687 : i32
        %add3A_689 = arith.addi %mul3A_138, %mul3A_478 : i32
        %add3A_690 = arith.constant 1 : i32
        %add3A_691 = arith.addi %add3A_689, %add3A_690 : i32
        %get3A_692 = arith.index_cast %add3A_691 : i32 to index
        %get3A_693 = arith.constant 112 : index
        %get3A_694 = tpu.vector_load %arg11[%get3A_692, %get3A_693] {strides = array<i32>} : memref<256x128xf32, #tpu.memory_space<vmem>>, vector<1x16xf32>,
        %get3A_695 = vector.shape_cast %get3A_694 : vector<1x16xf32> to vector<16xf32>
        %swap3A_696 = arith.index_cast %add3A_688 : i32 to index
        %swap3A_697 = arith.constant 112 : index
        %swap3A_698 = tpu.vector_load %arg7[%swap3A_696, %swap3A_697] {strides = array<i32>} : memref<128x128xf32, #tpu.memory_space<vmem>>, vector<1x16xf32>,
        %swap3A_699 = vector.shape_cast %swap3A_698 : vector<1x16xf32> to vector<16xf32>
        %swap3A_700 = vector.shape_cast %get3A_695 : vector<16xf32> to vector<1x16xf32>
        tpu.vector_store %arg7[%swap3A_696, %swap3A_697], %swap3A_700 {add = true, strides = array<i32>} : memref<128x128xf32, #tpu.memory_space<vmem>>, vector<1x16xf32>,
      }
      %scan3A_144 = arith.constant 64 : i32
      %jit3A = arith.constant 2 : i32
      %div3A = arith.divsi %add3A_113, %jit3A : i32
      %sign3A = arith.constant 0 : i32
      %sign3A_145 = arith.cmpi sgt, %add3A_113, %sign3A : i32
      %sign3A_146 = arith.extui %sign3A_145 : i1 to i32
      %sign3A_147 = arith.constant 0 : i32
      %sign3A_148 = arith.cmpi slt, %add3A_113, %sign3A_147 : i32
      %sign3A_149 = arith.extui %sign3A_148 : i1 to i32
      %sign3A_150 = arith.subi %sign3A_146, %sign3A_149 : i32
      %sign3A_151 = arith.constant 0 : i32
      %sign3A_152 = arith.cmpi sgt, %jit3A, %sign3A_151 : i32
      %sign3A_153 = arith.extui %sign3A_152 : i1 to i32
      %sign3A_154 = arith.constant 0 : i32
      %sign3A_155 = arith.cmpi slt, %jit3A, %sign3A_154 : i32
      %sign3A_156 = arith.extui %sign3A_155 : i1 to i32
      %sign3A_157 = arith.subi %sign3A_153, %sign3A_156 : i32
      %ne3A = arith.cmpi ne, %sign3A_150, %sign3A_157 : i32
      %rem3A_158 = arith.remsi %add3A_113, %jit3A : i32
      %ne3A_159 = arith.constant 0 : i32
      %ne3A_160 = arith.cmpi ne, %rem3A_158, %ne3A_159 : i32
      %and3A = arith.andi %ne3A, %ne3A_160 : i1
      %sub3A_161 = arith.constant 1 : i32
      %sub3A_162 = arith.subi %div3A, %sub3A_161 : i32
      %select_n3A = arith.select %and3A, %sub3A_162, %div3A : i32
      %rem3A_163 = arith.constant 2 : i32
      %rem3A_164 = arith.remsi %add3A_113, %rem3A_163 : i32
      %mul3A_165 = arith.constant 128 : i32
      %mul3A_166 = arith.muli %rem3A_164, %mul3A_165 : i32
      %add3A_167 = arith.addi %mul3A_2, %mul3A_166 : i32
      %dma_start3A_168 = arith.constant 0 : i32
      %dma_start3A_169 = tpu.memref_slice %arg5[%select_n3A, %add3A_167, %dma_start3A_168] : memref<4x8192x128xf32, #tpu.memory_space<hbm>> -> memref<1x128x128xf32, #tpu.memory_space<hbm>>
      %dma_start3A_170 = tpu.memref_squeeze %dma_start3A_169 : memref<1x128x128xf32, #tpu.memory_space<hbm>> -> memref<128x128xf32, #tpu.memory_space<hbm>>
      %dma_start3A_171 = arith.constant 0 : i32
      %dma_start3A_172 = tpu.memref_slice %arg5[%select_n3A, %add3A_167, %dma_start3A_171] : memref<4x8192x128xf32, #tpu.memory_space<hbm>> -> memref<1x128x128xf32, #tpu.memory_space<hbm>>
      %dma_start3A_173 = tpu.memref_squeeze %dma_start3A_172 : memref<1x128x128xf32, #tpu.memory_space<hbm>> -> memref<128x128xf32, #tpu.memory_space<hbm>>
      tpu.enqueue_dma source(%arg7 : memref<128x128xf32, #tpu.memory_space<vmem>>) target(%dma_start3A_173 : memref<128x128xf32, #tpu.memory_space<hbm>>) target_semaphore(%arg13 : memref<!tpu.dma_semaphore, #tpu.memory_space<semaphore_mem>>)
      %mul3A_174 = arith.constant 4 : i32
      %mul3A_175 = arith.muli %scan3A_109, %mul3A_174 : i32
      %add3A_176 = arith.constant 1 : i32
      %add3A_177 = arith.addi %mul3A_175, %add3A_176 : i32
      %sub3A_178 = arith.constant 1 : i32
      %sub3A_179 = arith.subi %add3A_177, %sub3A_178 : i32
      %jit3A_180 = arith.constant 2 : i32
      %div3A_181 = arith.divsi %sub3A_179, %jit3A_180 : i32
      %sign3A_182 = arith.constant 0 : i32
      %sign3A_183 = arith.cmpi sgt, %sub3A_179, %sign3A_182 : i32
      %sign3A_184 = arith.extui %sign3A_183 : i1 to i32
      %sign3A_185 = arith.constant 0 : i32
      %sign3A_186 = arith.cmpi slt, %sub3A_179, %sign3A_185 : i32
      %sign3A_187 = arith.extui %sign3A_186 : i1 to i32
      %sign3A_188 = arith.subi %sign3A_184, %sign3A_187 : i32
      %sign3A_189 = arith.constant 0 : i32
      %sign3A_190 = arith.cmpi sgt, %jit3A_180, %sign3A_189 : i32
      %sign3A_191 = arith.extui %sign3A_190 : i1 to i32
      %sign3A_192 = arith.constant 0 : i32
      %sign3A_193 = arith.cmpi slt, %jit3A_180, %sign3A_192 : i32
      %sign3A_194 = arith.extui %sign3A_193 : i1 to i32
      %sign3A_195 = arith.subi %sign3A_191, %sign3A_194 : i32
      %ne3A_196 = arith.cmpi ne, %sign3A_188, %sign3A_195 : i32
      %rem3A_197 = arith.remsi %sub3A_179, %jit3A_180 : i32
      %ne3A_198 = arith.constant 0 : i32
      %ne3A_199 = arith.cmpi ne, %rem3A_197, %ne3A_198 : i32
      %and3A_200 = arith.andi %ne3A_196, %ne3A_199 : i1
      %sub3A_201 = arith.constant 1 : i32
      %sub3A_202 = arith.subi %div3A_181, %sub3A_201 : i32
      %select_n3A_203 = arith.select %and3A_200, %sub3A_202, %div3A_181 : i32
      %rem3A_204 = arith.constant 2 : i32
      %rem3A_205 = arith.remsi %sub3A_179, %rem3A_204 : i32
      %mul3A_206 = arith.constant 128 : i32
      %mul3A_207 = arith.muli %rem3A_205, %mul3A_206 : i32
      %add3A_208 = arith.addi %mul3A_2, %mul3A_207 : i32
      %dma_wait3A_209 = arith.constant 0 : i32
      %dma_wait3A_210 = tpu.memref_slice %arg5[%select_n3A_203, %add3A_208, %dma_wait3A_209] : memref<4x8192x128xf32, #tpu.memory_space<hbm>> -> memref<1x128x128xf32, #tpu.memory_space<hbm>>
      %dma_wait3A_211 = tpu.memref_squeeze %dma_wait3A_210 : memref<1x128x128xf32, #tpu.memory_space<hbm>> -> memref<128x128xf32, #tpu.memory_space<hbm>>
      %dma_wait3A_212 = arith.constant 0 : i32
      %dma_wait3A_213 = tpu.memref_slice %arg5[%select_n3A_203, %add3A_208, %dma_wait3A_212] : memref<4x8192x128xf32, #tpu.memory_space<hbm>> -> memref<1x128x128xf32, #tpu.memory_space<hbm>>
      %dma_wait3A_214 = tpu.memref_squeeze %dma_wait3A_213 : memref<1x128x128xf32, #tpu.memory_space<hbm>> -> memref<128x128xf32, #tpu.memory_space<hbm>>
      tpu.wait_dma2 semaphore(%arg13 : memref<!tpu.dma_semaphore, #tpu.memory_space<semaphore_mem>>) src(%arg7 : memref<128x128xf32, #tpu.memory_space<vmem>>) dst(%dma_wait3A_214 : memref<128x128xf32, #tpu.memory_space<hbm>>)
      %add3A_215 = arith.constant 4 : i32
      %add3A_216 = arith.addi %add3A_177, %add3A_215 : i32
      %sub3A_217 = arith.constant 1 : i32
      %sub3A_218 = arith.subi %add3A_216, %sub3A_217 : i32
      %lt3A = arith.constant 8 : i32
      %lt3A_219 = arith.cmpi slt, %sub3A_218, %lt3A : i32
      %convert_element_type3A_220 = arith.extui %lt3A_219 : i1 to i32
      %cond3A_221 = arith.constant 0 : i32
      %cond3A_222 = arith.cmpi ne, %convert_element_type3A_220, %cond3A_221 : i32
      scf.if %cond3A_222 {
        %add3A_476 = arith.constant 4 : i32
        %add3A_477 = arith.addi %add3A_177, %add3A_476 : i32
        %sub3A_478 = arith.constant 1 : i32
        %sub3A_479 = arith.subi %add3A_477, %sub3A_478 : i32
        %mul3A_480 = arith.constant 128 : i32
        %mul3A_481 = arith.muli %sub3A_479, %mul3A_480 : i32
        %dma_start3A_482 = tpu.memref_slice %arg6[%mul3A_481] : memref<1024xi32, #tpu.memory_space<vmem>> -> memref<128xi32, #tpu.memory_space<vmem>>
        %dma_start3A_483 = arith.constant 0 : i32
        %dma_start3A_484 = arith.constant 0 : i32
        %dma_start3A_485 = tpu.memref_slice %arg3[%dma_start3A_483, %dma_start3A_484] : memref<100000x128xf32, #tpu.memory_space<hbm>> -> memref<100000x128xf32, #tpu.memory_space<hbm>>
        tpu.enqueue_indirect_dma source(%dma_start3A_485 : memref<100000x128xf32, #tpu.memory_space<hbm>>) target(%arg7 : memref<128x128xf32, #tpu.memory_space<vmem>>) offsets(%dma_start3A_482 : memref<128xi32, #tpu.memory_space<vmem>>) semaphore(%arg12 : memref<!tpu.dma_semaphore, #tpu.memory_space<semaphore_mem>>)
      } else {
      }
      %mul3A_223 = arith.constant 128 : i32
      %mul3A_224 = arith.muli %add3A_177, %mul3A_223 : i32
      %dma_wait3A_225 = tpu.memref_slice %arg6[%mul3A_224] : memref<1024xi32, #tpu.memory_space<vmem>> -> memref<128xi32, #tpu.memory_space<vmem>>
      %dma_wait3A_226 = arith.constant 0 : i32
      %dma_wait3A_227 = arith.constant 0 : i32
      %dma_wait3A_228 = tpu.memref_slice %arg3[%dma_wait3A_226, %dma_wait3A_227] : memref<100000x128xf32, #tpu.memory_space<hbm>> -> memref<100000x128xf32, #tpu.memory_space<hbm>>
      tpu.wait_indirect_dma semaphore(%arg12 : memref<!tpu.dma_semaphore, #tpu.memory_space<semaphore_mem>>) src(%dma_wait3A_228 : memref<100000x128xf32, #tpu.memory_space<hbm>>) dst(%arg8 : memref<128x128xf32, #tpu.memory_space<vmem>>)
      %rem3A_229 = arith.constant 2 : i32
      %rem3A_230 = arith.remsi %add3A_177, %rem3A_229 : i32
      %mul3A_231 = arith.constant 128 : i32
      %mul3A_232 = arith.muli %rem3A_230, %mul3A_231 : i32
      %scan3A_233 = arith.constant 0 : i32
      %scan3A_234 = arith.constant 0 : i32
      %scan3A_235 = arith.constant 64 : i32
      %scan3A_236 = arith.addi %scan3A_234, %scan3A_235 : i32
      %scan3A_237 = arith.constant 1 : i32
      scf.for %scan3A_476 = %scan3A_234 to %scan3A_236 step %scan3A_237  : i32 {
        %mul3A_477 = arith.constant 2 : i32
        %mul3A_478 = arith.muli %scan3A_476, %mul3A_477 : i32
        %add3A_479 = arith.constant 0 : i32
        %add3A_480 = arith.addi %mul3A_478, %add3A_479 : i32
        %add3A_481 = arith.addi %mul3A_232, %mul3A_478 : i32
        %add3A_482 = arith.constant 0 : i32
        %add3A_483 = arith.addi %add3A_481, %add3A_482 : i32
        %get3A = arith.index_cast %add3A_483 : i32 to index
        %get3A_484 = arith.constant 0 : index
        %get3A_485 = tpu.vector_load %arg11[%get3A, %get3A_484] {strides = array<i32>} : memref<256x128xf32, #tpu.memory_space<vmem>>, vector<1x16xf32>,
        %get3A_486 = vector.shape_cast %get3A_485 : vector<1x16xf32> to vector<16xf32>
        %swap3A = arith.index_cast %add3A_480 : i32 to index
        %swap3A_487 = arith.constant 0 : index
        %swap3A_488 = tpu.vector_load %arg8[%swap3A, %swap3A_487] {strides = array<i32>} : memref<128x128xf32, #tpu.memory_space<vmem>>, vector<1x16xf32>,
        %swap3A_489 = vector.shape_cast %swap3A_488 : vector<1x16xf32> to vector<16xf32>
        %swap3A_490 = vector.shape_cast %get3A_486 : vector<16xf32> to vector<1x16xf32>
        tpu.vector_store %arg8[%swap3A, %swap3A_487], %swap3A_490 {add = true, strides = array<i32>} : memref<128x128xf32, #tpu.memory_space<vmem>>, vector<1x16xf32>,
        %add3A_491 = arith.constant 0 : i32
        %add3A_492 = arith.addi %mul3A_478, %add3A_491 : i32
        %add3A_493 = arith.addi %mul3A_232, %mul3A_478 : i32
        %add3A_494 = arith.constant 0 : i32
        %add3A_495 = arith.addi %add3A_493, %add3A_494 : i32
        %get3A_496 = arith.index_cast %add3A_495 : i32 to index
        %get3A_497 = arith.constant 16 : index
        %get3A_498 = tpu.vector_load %arg11[%get3A_496, %get3A_497] {strides = array<i32>} : memref<256x128xf32, #tpu.memory_space<vmem>>, vector<1x16xf32>,
        %get3A_499 = vector.shape_cast %get3A_498 : vector<1x16xf32> to vector<16xf32>
        %swap3A_500 = arith.index_cast %add3A_492 : i32 to index
        %swap3A_501 = arith.constant 16 : index
        %swap3A_502 = tpu.vector_load %arg8[%swap3A_500, %swap3A_501] {strides = array<i32>} : memref<128x128xf32, #tpu.memory_space<vmem>>, vector<1x16xf32>,
        %swap3A_503 = vector.shape_cast %swap3A_502 : vector<1x16xf32> to vector<16xf32>
        %swap3A_504 = vector.shape_cast %get3A_499 : vector<16xf32> to vector<1x16xf32>
        tpu.vector_store %arg8[%swap3A_500, %swap3A_501], %swap3A_504 {add = true, strides = array<i32>} : memref<128x128xf32, #tpu.memory_space<vmem>>, vector<1x16xf32>,
        %add3A_505 = arith.constant 0 : i32
        %add3A_506 = arith.addi %mul3A_478, %add3A_505 : i32
        %add3A_507 = arith.addi %mul3A_232, %mul3A_478 : i32
        %add3A_508 = arith.constant 0 : i32
        %add3A_509 = arith.addi %add3A_507, %add3A_508 : i32
        %get3A_510 = arith.index_cast %add3A_509 : i32 to index
        %get3A_511 = arith.constant 32 : index
        %get3A_512 = tpu.vector_load %arg11[%get3A_510, %get3A_511] {strides = array<i32>} : memref<256x128xf32, #tpu.memory_space<vmem>>, vector<1x16xf32>,
        %get3A_513 = vector.shape_cast %get3A_512 : vector<1x16xf32> to vector<16xf32>
        %swap3A_514 = arith.index_cast %add3A_506 : i32 to index
        %swap3A_515 = arith.constant 32 : index
        %swap3A_516 = tpu.vector_load %arg8[%swap3A_514, %swap3A_515] {strides = array<i32>} : memref<128x128xf32, #tpu.memory_space<vmem>>, vector<1x16xf32>,
        %swap3A_517 = vector.shape_cast %swap3A_516 : vector<1x16xf32> to vector<16xf32>
        %swap3A_518 = vector.shape_cast %get3A_513 : vector<16xf32> to vector<1x16xf32>
        tpu.vector_store %arg8[%swap3A_514, %swap3A_515], %swap3A_518 {add = true, strides = array<i32>} : memref<128x128xf32, #tpu.memory_space<vmem>>, vector<1x16xf32>,
        %add3A_519 = arith.constant 0 : i32
        %add3A_520 = arith.addi %mul3A_478, %add3A_519 : i32
        %add3A_521 = arith.addi %mul3A_232, %mul3A_478 : i32
        %add3A_522 = arith.constant 0 : i32
        %add3A_523 = arith.addi %add3A_521, %add3A_522 : i32
        %get3A_524 = arith.index_cast %add3A_523 : i32 to index
        %get3A_525 = arith.constant 48 : index
        %get3A_526 = tpu.vector_load %arg11[%get3A_524, %get3A_525] {strides = array<i32>} : memref<256x128xf32, #tpu.memory_space<vmem>>, vector<1x16xf32>,
        %get3A_527 = vector.shape_cast %get3A_526 : vector<1x16xf32> to vector<16xf32>
        %swap3A_528 = arith.index_cast %add3A_520 : i32 to index
        %swap3A_529 = arith.constant 48 : index
        %swap3A_530 = tpu.vector_load %arg8[%swap3A_528, %swap3A_529] {strides = array<i32>} : memref<128x128xf32, #tpu.memory_space<vmem>>, vector<1x16xf32>,
        %swap3A_531 = vector.shape_cast %swap3A_530 : vector<1x16xf32> to vector<16xf32>
        %swap3A_532 = vector.shape_cast %get3A_527 : vector<16xf32> to vector<1x16xf32>
        tpu.vector_store %arg8[%swap3A_528, %swap3A_529], %swap3A_532 {add = true, strides = array<i32>} : memref<128x128xf32, #tpu.memory_space<vmem>>, vector<1x16xf32>,
        %add3A_533 = arith.constant 0 : i32
        %add3A_534 = arith.addi %mul3A_478, %add3A_533 : i32
        %add3A_535 = arith.addi %mul3A_232, %mul3A_478 : i32
        %add3A_536 = arith.constant 0 : i32
        %add3A_537 = arith.addi %add3A_535, %add3A_536 : i32
        %get3A_538 = arith.index_cast %add3A_537 : i32 to index
        %get3A_539 = arith.constant 64 : index
        %get3A_540 = tpu.vector_load %arg11[%get3A_538, %get3A_539] {strides = array<i32>} : memref<256x128xf32, #tpu.memory_space<vmem>>, vector<1x16xf32>,
        %get3A_541 = vector.shape_cast %get3A_540 : vector<1x16xf32> to vector<16xf32>
        %swap3A_542 = arith.index_cast %add3A_534 : i32 to index
        %swap3A_543 = arith.constant 64 : index
        %swap3A_544 = tpu.vector_load %arg8[%swap3A_542, %swap3A_543] {strides = array<i32>} : memref<128x128xf32, #tpu.memory_space<vmem>>, vector<1x16xf32>,
        %swap3A_545 = vector.shape_cast %swap3A_544 : vector<1x16xf32> to vector<16xf32>
        %swap3A_546 = vector.shape_cast %get3A_541 : vector<16xf32> to vector<1x16xf32>
        tpu.vector_store %arg8[%swap3A_542, %swap3A_543], %swap3A_546 {add = true, strides = array<i32>} : memref<128x128xf32, #tpu.memory_space<vmem>>, vector<1x16xf32>,
        %add3A_547 = arith.constant 0 : i32
        %add3A_548 = arith.addi %mul3A_478, %add3A_547 : i32
        %add3A_549 = arith.addi %mul3A_232, %mul3A_478 : i32
        %add3A_550 = arith.constant 0 : i32
        %add3A_551 = arith.addi %add3A_549, %add3A_550 : i32
        %get3A_552 = arith.index_cast %add3A_551 : i32 to index
        %get3A_553 = arith.constant 80 : index
        %get3A_554 = tpu.vector_load %arg11[%get3A_552, %get3A_553] {strides = array<i32>} : memref<256x128xf32, #tpu.memory_space<vmem>>, vector<1x16xf32>,
        %get3A_555 = vector.shape_cast %get3A_554 : vector<1x16xf32> to vector<16xf32>
        %swap3A_556 = arith.index_cast %add3A_548 : i32 to index
        %swap3A_557 = arith.constant 80 : index
        %swap3A_558 = tpu.vector_load %arg8[%swap3A_556, %swap3A_557] {strides = array<i32>} : memref<128x128xf32, #tpu.memory_space<vmem>>, vector<1x16xf32>,
        %swap3A_559 = vector.shape_cast %swap3A_558 : vector<1x16xf32> to vector<16xf32>
        %swap3A_560 = vector.shape_cast %get3A_555 : vector<16xf32> to vector<1x16xf32>
        tpu.vector_store %arg8[%swap3A_556, %swap3A_557], %swap3A_560 {add = true, strides = array<i32>} : memref<128x128xf32, #tpu.memory_space<vmem>>, vector<1x16xf32>,
        %add3A_561 = arith.constant 0 : i32
        %add3A_562 = arith.addi %mul3A_478, %add3A_561 : i32
        %add3A_563 = arith.addi %mul3A_232, %mul3A_478 : i32
        %add3A_564 = arith.constant 0 : i32
        %add3A_565 = arith.addi %add3A_563, %add3A_564 : i32
        %get3A_566 = arith.index_cast %add3A_565 : i32 to index
        %get3A_567 = arith.constant 96 : index
        %get3A_568 = tpu.vector_load %arg11[%get3A_566, %get3A_567] {strides = array<i32>} : memref<256x128xf32, #tpu.memory_space<vmem>>, vector<1x16xf32>,
        %get3A_569 = vector.shape_cast %get3A_568 : vector<1x16xf32> to vector<16xf32>
        %swap3A_570 = arith.index_cast %add3A_562 : i32 to index
        %swap3A_571 = arith.constant 96 : index
        %swap3A_572 = tpu.vector_load %arg8[%swap3A_570, %swap3A_571] {strides = array<i32>} : memref<128x128xf32, #tpu.memory_space<vmem>>, vector<1x16xf32>,
        %swap3A_573 = vector.shape_cast %swap3A_572 : vector<1x16xf32> to vector<16xf32>
        %swap3A_574 = vector.shape_cast %get3A_569 : vector<16xf32> to vector<1x16xf32>
        tpu.vector_store %arg8[%swap3A_570, %swap3A_571], %swap3A_574 {add = true, strides = array<i32>} : memref<128x128xf32, #tpu.memory_space<vmem>>, vector<1x16xf32>,
        %add3A_575 = arith.constant 0 : i32
        %add3A_576 = arith.addi %mul3A_478, %add3A_575 : i32
        %add3A_577 = arith.addi %mul3A_232, %mul3A_478 : i32
        %add3A_578 = arith.constant 0 : i32
        %add3A_579 = arith.addi %add3A_577, %add3A_578 : i32
        %get3A_580 = arith.index_cast %add3A_579 : i32 to index
        %get3A_581 = arith.constant 112 : index
        %get3A_582 = tpu.vector_load %arg11[%get3A_580, %get3A_581] {strides = array<i32>} : memref<256x128xf32, #tpu.memory_space<vmem>>, vector<1x16xf32>,
        %get3A_583 = vector.shape_cast %get3A_582 : vector<1x16xf32> to vector<16xf32>
        %swap3A_584 = arith.index_cast %add3A_576 : i32 to index
        %swap3A_585 = arith.constant 112 : index
        %swap3A_586 = tpu.vector_load %arg8[%swap3A_584, %swap3A_585] {strides = array<i32>} : memref<128x128xf32, #tpu.memory_space<vmem>>, vector<1x16xf32>,
        %swap3A_587 = vector.shape_cast %swap3A_586 : vector<1x16xf32> to vector<16xf32>
        %swap3A_588 = vector.shape_cast %get3A_583 : vector<16xf32> to vector<1x16xf32>
        tpu.vector_store %arg8[%swap3A_584, %swap3A_585], %swap3A_588 {add = true, strides = array<i32>} : memref<128x128xf32, #tpu.memory_space<vmem>>, vector<1x16xf32>,
        %add3A_589 = arith.constant 1 : i32
        %add3A_590 = arith.addi %mul3A_478, %add3A_589 : i32
        %add3A_591 = arith.addi %mul3A_232, %mul3A_478 : i32
        %add3A_592 = arith.constant 1 : i32
        %add3A_593 = arith.addi %add3A_591, %add3A_592 : i32
        %get3A_594 = arith.index_cast %add3A_593 : i32 to index
        %get3A_595 = arith.constant 0 : index
        %get3A_596 = tpu.vector_load %arg11[%get3A_594, %get3A_595] {strides = array<i32>} : memref<256x128xf32, #tpu.memory_space<vmem>>, vector<1x16xf32>,
        %get3A_597 = vector.shape_cast %get3A_596 : vector<1x16xf32> to vector<16xf32>
        %swap3A_598 = arith.index_cast %add3A_590 : i32 to index
        %swap3A_599 = arith.constant 0 : index
        %swap3A_600 = tpu.vector_load %arg8[%swap3A_598, %swap3A_599] {strides = array<i32>} : memref<128x128xf32, #tpu.memory_space<vmem>>, vector<1x16xf32>,
        %swap3A_601 = vector.shape_cast %swap3A_600 : vector<1x16xf32> to vector<16xf32>
        %swap3A_602 = vector.shape_cast %get3A_597 : vector<16xf32> to vector<1x16xf32>
        tpu.vector_store %arg8[%swap3A_598, %swap3A_599], %swap3A_602 {add = true, strides = array<i32>} : memref<128x128xf32, #tpu.memory_space<vmem>>, vector<1x16xf32>,
        %add3A_603 = arith.constant 1 : i32
        %add3A_604 = arith.addi %mul3A_478, %add3A_603 : i32
        %add3A_605 = arith.addi %mul3A_232, %mul3A_478 : i32
        %add3A_606 = arith.constant 1 : i32
        %add3A_607 = arith.addi %add3A_605, %add3A_606 : i32
        %get3A_608 = arith.index_cast %add3A_607 : i32 to index
        %get3A_609 = arith.constant 16 : index
        %get3A_610 = tpu.vector_load %arg11[%get3A_608, %get3A_609] {strides = array<i32>} : memref<256x128xf32, #tpu.memory_space<vmem>>, vector<1x16xf32>,
        %get3A_611 = vector.shape_cast %get3A_610 : vector<1x16xf32> to vector<16xf32>
        %swap3A_612 = arith.index_cast %add3A_604 : i32 to index
        %swap3A_613 = arith.constant 16 : index
        %swap3A_614 = tpu.vector_load %arg8[%swap3A_612, %swap3A_613] {strides = array<i32>} : memref<128x128xf32, #tpu.memory_space<vmem>>, vector<1x16xf32>,
        %swap3A_615 = vector.shape_cast %swap3A_614 : vector<1x16xf32> to vector<16xf32>
        %swap3A_616 = vector.shape_cast %get3A_611 : vector<16xf32> to vector<1x16xf32>
        tpu.vector_store %arg8[%swap3A_612, %swap3A_613], %swap3A_616 {add = true, strides = array<i32>} : memref<128x128xf32, #tpu.memory_space<vmem>>, vector<1x16xf32>,
        %add3A_617 = arith.constant 1 : i32
        %add3A_618 = arith.addi %mul3A_478, %add3A_617 : i32
        %add3A_619 = arith.addi %mul3A_232, %mul3A_478 : i32
        %add3A_620 = arith.constant 1 : i32
        %add3A_621 = arith.addi %add3A_619, %add3A_620 : i32
        %get3A_622 = arith.index_cast %add3A_621 : i32 to index
        %get3A_623 = arith.constant 32 : index
        %get3A_624 = tpu.vector_load %arg11[%get3A_622, %get3A_623] {strides = array<i32>} : memref<256x128xf32, #tpu.memory_space<vmem>>, vector<1x16xf32>,
        %get3A_625 = vector.shape_cast %get3A_624 : vector<1x16xf32> to vector<16xf32>
        %swap3A_626 = arith.index_cast %add3A_618 : i32 to index
        %swap3A_627 = arith.constant 32 : index
        %swap3A_628 = tpu.vector_load %arg8[%swap3A_626, %swap3A_627] {strides = array<i32>} : memref<128x128xf32, #tpu.memory_space<vmem>>, vector<1x16xf32>,
        %swap3A_629 = vector.shape_cast %swap3A_628 : vector<1x16xf32> to vector<16xf32>
        %swap3A_630 = vector.shape_cast %get3A_625 : vector<16xf32> to vector<1x16xf32>
        tpu.vector_store %arg8[%swap3A_626, %swap3A_627], %swap3A_630 {add = true, strides = array<i32>} : memref<128x128xf32, #tpu.memory_space<vmem>>, vector<1x16xf32>,
        %add3A_631 = arith.constant 1 : i32
        %add3A_632 = arith.addi %mul3A_478, %add3A_631 : i32
        %add3A_633 = arith.addi %mul3A_232, %mul3A_478 : i32
        %add3A_634 = arith.constant 1 : i32
        %add3A_635 = arith.addi %add3A_633, %add3A_634 : i32
        %get3A_636 = arith.index_cast %add3A_635 : i32 to index
        %get3A_637 = arith.constant 48 : index
        %get3A_638 = tpu.vector_load %arg11[%get3A_636, %get3A_637] {strides = array<i32>} : memref<256x128xf32, #tpu.memory_space<vmem>>, vector<1x16xf32>,
        %get3A_639 = vector.shape_cast %get3A_638 : vector<1x16xf32> to vector<16xf32>
        %swap3A_640 = arith.index_cast %add3A_632 : i32 to index
        %swap3A_641 = arith.constant 48 : index
        %swap3A_642 = tpu.vector_load %arg8[%swap3A_640, %swap3A_641] {strides = array<i32>} : memref<128x128xf32, #tpu.memory_space<vmem>>, vector<1x16xf32>,
        %swap3A_643 = vector.shape_cast %swap3A_642 : vector<1x16xf32> to vector<16xf32>
        %swap3A_644 = vector.shape_cast %get3A_639 : vector<16xf32> to vector<1x16xf32>
        tpu.vector_store %arg8[%swap3A_640, %swap3A_641], %swap3A_644 {add = true, strides = array<i32>} : memref<128x128xf32, #tpu.memory_space<vmem>>, vector<1x16xf32>,
        %add3A_645 = arith.constant 1 : i32
        %add3A_646 = arith.addi %mul3A_478, %add3A_645 : i32
        %add3A_647 = arith.addi %mul3A_232, %mul3A_478 : i32
        %add3A_648 = arith.constant 1 : i32
        %add3A_649 = arith.addi %add3A_647, %add3A_648 : i32
        %get3A_650 = arith.index_cast %add3A_649 : i32 to index
        %get3A_651 = arith.constant 64 : index
        %get3A_652 = tpu.vector_load %arg11[%get3A_650, %get3A_651] {strides = array<i32>} : memref<256x128xf32, #tpu.memory_space<vmem>>, vector<1x16xf32>,
        %get3A_653 = vector.shape_cast %get3A_652 : vector<1x16xf32> to vector<16xf32>
        %swap3A_654 = arith.index_cast %add3A_646 : i32 to index
        %swap3A_655 = arith.constant 64 : index
        %swap3A_656 = tpu.vector_load %arg8[%swap3A_654, %swap3A_655] {strides = array<i32>} : memref<128x128xf32, #tpu.memory_space<vmem>>, vector<1x16xf32>,
        %swap3A_657 = vector.shape_cast %swap3A_656 : vector<1x16xf32> to vector<16xf32>
        %swap3A_658 = vector.shape_cast %get3A_653 : vector<16xf32> to vector<1x16xf32>
        tpu.vector_store %arg8[%swap3A_654, %swap3A_655], %swap3A_658 {add = true, strides = array<i32>} : memref<128x128xf32, #tpu.memory_space<vmem>>, vector<1x16xf32>,
        %add3A_659 = arith.constant 1 : i32
        %add3A_660 = arith.addi %mul3A_478, %add3A_659 : i32
        %add3A_661 = arith.addi %mul3A_232, %mul3A_478 : i32
        %add3A_662 = arith.constant 1 : i32
        %add3A_663 = arith.addi %add3A_661, %add3A_662 : i32
        %get3A_664 = arith.index_cast %add3A_663 : i32 to index
        %get3A_665 = arith.constant 80 : index
        %get3A_666 = tpu.vector_load %arg11[%get3A_664, %get3A_665] {strides = array<i32>} : memref<256x128xf32, #tpu.memory_space<vmem>>, vector<1x16xf32>,
        %get3A_667 = vector.shape_cast %get3A_666 : vector<1x16xf32> to vector<16xf32>
        %swap3A_668 = arith.index_cast %add3A_660 : i32 to index
        %swap3A_669 = arith.constant 80 : index
        %swap3A_670 = tpu.vector_load %arg8[%swap3A_668, %swap3A_669] {strides = array<i32>} : memref<128x128xf32, #tpu.memory_space<vmem>>, vector<1x16xf32>,
        %swap3A_671 = vector.shape_cast %swap3A_670 : vector<1x16xf32> to vector<16xf32>
        %swap3A_672 = vector.shape_cast %get3A_667 : vector<16xf32> to vector<1x16xf32>
        tpu.vector_store %arg8[%swap3A_668, %swap3A_669], %swap3A_672 {add = true, strides = array<i32>} : memref<128x128xf32, #tpu.memory_space<vmem>>, vector<1x16xf32>,
        %add3A_673 = arith.constant 1 : i32
        %add3A_674 = arith.addi %mul3A_478, %add3A_673 : i32
        %add3A_675 = arith.addi %mul3A_232, %mul3A_478 : i32
        %add3A_676 = arith.constant 1 : i32
        %add3A_677 = arith.addi %add3A_675, %add3A_676 : i32
        %get3A_678 = arith.index_cast %add3A_677 : i32 to index
        %get3A_679 = arith.constant 96 : index
        %get3A_680 = tpu.vector_load %arg11[%get3A_678, %get3A_679] {strides = array<i32>} : memref<256x128xf32, #tpu.memory_space<vmem>>, vector<1x16xf32>,
        %get3A_681 = vector.shape_cast %get3A_680 : vector<1x16xf32> to vector<16xf32>
        %swap3A_682 = arith.index_cast %add3A_674 : i32 to index
        %swap3A_683 = arith.constant 96 : index
        %swap3A_684 = tpu.vector_load %arg8[%swap3A_682, %swap3A_683] {strides = array<i32>} : memref<128x128xf32, #tpu.memory_space<vmem>>, vector<1x16xf32>,
        %swap3A_685 = vector.shape_cast %swap3A_684 : vector<1x16xf32> to vector<16xf32>
        %swap3A_686 = vector.shape_cast %get3A_681 : vector<16xf32> to vector<1x16xf32>
        tpu.vector_store %arg8[%swap3A_682, %swap3A_683], %swap3A_686 {add = true, strides = array<i32>} : memref<128x128xf32, #tpu.memory_space<vmem>>, vector<1x16xf32>,
        %add3A_687 = arith.constant 1 : i32
        %add3A_688 = arith.addi %mul3A_478, %add3A_687 : i32
        %add3A_689 = arith.addi %mul3A_232, %mul3A_478 : i32
        %add3A_690 = arith.constant 1 : i32
        %add3A_691 = arith.addi %add3A_689, %add3A_690 : i32
        %get3A_692 = arith.index_cast %add3A_691 : i32 to index
        %get3A_693 = arith.constant 112 : index
        %get3A_694 = tpu.vector_load %arg11[%get3A_692, %get3A_693] {strides = array<i32>} : memref<256x128xf32, #tpu.memory_space<vmem>>, vector<1x16xf32>,
        %get3A_695 = vector.shape_cast %get3A_694 : vector<1x16xf32> to vector<16xf32>
        %swap3A_696 = arith.index_cast %add3A_688 : i32 to index
        %swap3A_697 = arith.constant 112 : index
        %swap3A_698 = tpu.vector_load %arg8[%swap3A_696, %swap3A_697] {strides = array<i32>} : memref<128x128xf32, #tpu.memory_space<vmem>>, vector<1x16xf32>,
        %swap3A_699 = vector.shape_cast %swap3A_698 : vector<1x16xf32> to vector<16xf32>
        %swap3A_700 = vector.shape_cast %get3A_695 : vector<16xf32> to vector<1x16xf32>
        tpu.vector_store %arg8[%swap3A_696, %swap3A_697], %swap3A_700 {add = true, strides = array<i32>} : memref<128x128xf32, #tpu.memory_space<vmem>>, vector<1x16xf32>,
      }
      %scan3A_238 = arith.constant 64 : i32
      %jit3A_239 = arith.constant 2 : i32
      %div3A_240 = arith.divsi %add3A_177, %jit3A_239 : i32
      %sign3A_241 = arith.constant 0 : i32
      %sign3A_242 = arith.cmpi sgt, %add3A_177, %sign3A_241 : i32
      %sign3A_243 = arith.extui %sign3A_242 : i1 to i32
      %sign3A_244 = arith.constant 0 : i32
      %sign3A_245 = arith.cmpi slt, %add3A_177, %sign3A_244 : i32
      %sign3A_246 = arith.extui %sign3A_245 : i1 to i32
      %sign3A_247 = arith.subi %sign3A_243, %sign3A_246 : i32
      %sign3A_248 = arith.constant 0 : i32
      %sign3A_249 = arith.cmpi sgt, %jit3A_239, %sign3A_248 : i32
      %sign3A_250 = arith.extui %sign3A_249 : i1 to i32
      %sign3A_251 = arith.constant 0 : i32
      %sign3A_252 = arith.cmpi slt, %jit3A_239, %sign3A_251 : i32
      %sign3A_253 = arith.extui %sign3A_252 : i1 to i32
      %sign3A_254 = arith.subi %sign3A_250, %sign3A_253 : i32
      %ne3A_255 = arith.cmpi ne, %sign3A_247, %sign3A_254 : i32
      %rem3A_256 = arith.remsi %add3A_177, %jit3A_239 : i32
      %ne3A_257 = arith.constant 0 : i32
      %ne3A_258 = arith.cmpi ne, %rem3A_256, %ne3A_257 : i32
      %and3A_259 = arith.andi %ne3A_255, %ne3A_258 : i1
      %sub3A_260 = arith.constant 1 : i32
      %sub3A_261 = arith.subi %div3A_240, %sub3A_260 : i32
      %select_n3A_262 = arith.select %and3A_259, %sub3A_261, %div3A_240 : i32
      %rem3A_263 = arith.constant 2 : i32
      %rem3A_264 = arith.remsi %add3A_177, %rem3A_263 : i32
      %mul3A_265 = arith.constant 128 : i32
      %mul3A_266 = arith.muli %rem3A_264, %mul3A_265 : i32
      %add3A_267 = arith.addi %mul3A_2, %mul3A_266 : i32
      %dma_start3A_268 = arith.constant 0 : i32
      %dma_start3A_269 = tpu.memref_slice %arg5[%select_n3A_262, %add3A_267, %dma_start3A_268] : memref<4x8192x128xf32, #tpu.memory_space<hbm>> -> memref<1x128x128xf32, #tpu.memory_space<hbm>>
      %dma_start3A_270 = tpu.memref_squeeze %dma_start3A_269 : memref<1x128x128xf32, #tpu.memory_space<hbm>> -> memref<128x128xf32, #tpu.memory_space<hbm>>
      %dma_start3A_271 = arith.constant 0 : i32
      %dma_start3A_272 = tpu.memref_slice %arg5[%select_n3A_262, %add3A_267, %dma_start3A_271] : memref<4x8192x128xf32, #tpu.memory_space<hbm>> -> memref<1x128x128xf32, #tpu.memory_space<hbm>>
      %dma_start3A_273 = tpu.memref_squeeze %dma_start3A_272 : memref<1x128x128xf32, #tpu.memory_space<hbm>> -> memref<128x128xf32, #tpu.memory_space<hbm>>
      tpu.enqueue_dma source(%arg8 : memref<128x128xf32, #tpu.memory_space<vmem>>) target(%dma_start3A_273 : memref<128x128xf32, #tpu.memory_space<hbm>>) target_semaphore(%arg13 : memref<!tpu.dma_semaphore, #tpu.memory_space<semaphore_mem>>)
      %mul3A_274 = arith.constant 4 : i32
      %mul3A_275 = arith.muli %scan3A_109, %mul3A_274 : i32
      %add3A_276 = arith.constant 2 : i32
      %add3A_277 = arith.addi %mul3A_275, %add3A_276 : i32
      %sub3A_278 = arith.constant 1 : i32
      %sub3A_279 = arith.subi %add3A_277, %sub3A_278 : i32
      %jit3A_280 = arith.constant 2 : i32
      %div3A_281 = arith.divsi %sub3A_279, %jit3A_280 : i32
      %sign3A_282 = arith.constant 0 : i32
      %sign3A_283 = arith.cmpi sgt, %sub3A_279, %sign3A_282 : i32
      %sign3A_284 = arith.extui %sign3A_283 : i1 to i32
      %sign3A_285 = arith.constant 0 : i32
      %sign3A_286 = arith.cmpi slt, %sub3A_279, %sign3A_285 : i32
      %sign3A_287 = arith.extui %sign3A_286 : i1 to i32
      %sign3A_288 = arith.subi %sign3A_284, %sign3A_287 : i32
      %sign3A_289 = arith.constant 0 : i32
      %sign3A_290 = arith.cmpi sgt, %jit3A_280, %sign3A_289 : i32
      %sign3A_291 = arith.extui %sign3A_290 : i1 to i32
      %sign3A_292 = arith.constant 0 : i32
      %sign3A_293 = arith.cmpi slt, %jit3A_280, %sign3A_292 : i32
      %sign3A_294 = arith.extui %sign3A_293 : i1 to i32
      %sign3A_295 = arith.subi %sign3A_291, %sign3A_294 : i32
      %ne3A_296 = arith.cmpi ne, %sign3A_288, %sign3A_295 : i32
      %rem3A_297 = arith.remsi %sub3A_279, %jit3A_280 : i32
      %ne3A_298 = arith.constant 0 : i32
      %ne3A_299 = arith.cmpi ne, %rem3A_297, %ne3A_298 : i32
      %and3A_300 = arith.andi %ne3A_296, %ne3A_299 : i1
      %sub3A_301 = arith.constant 1 : i32
      %sub3A_302 = arith.subi %div3A_281, %sub3A_301 : i32
      %select_n3A_303 = arith.select %and3A_300, %sub3A_302, %div3A_281 : i32
      %rem3A_304 = arith.constant 2 : i32
      %rem3A_305 = arith.remsi %sub3A_279, %rem3A_304 : i32
      %mul3A_306 = arith.constant 128 : i32
      %mul3A_307 = arith.muli %rem3A_305, %mul3A_306 : i32
      %add3A_308 = arith.addi %mul3A_2, %mul3A_307 : i32
      %dma_wait3A_309 = arith.constant 0 : i32
      %dma_wait3A_310 = tpu.memref_slice %arg5[%select_n3A_303, %add3A_308, %dma_wait3A_309] : memref<4x8192x128xf32, #tpu.memory_space<hbm>> -> memref<1x128x128xf32, #tpu.memory_space<hbm>>
      %dma_wait3A_311 = tpu.memref_squeeze %dma_wait3A_310 : memref<1x128x128xf32, #tpu.memory_space<hbm>> -> memref<128x128xf32, #tpu.memory_space<hbm>>
      %dma_wait3A_312 = arith.constant 0 : i32
      %dma_wait3A_313 = tpu.memref_slice %arg5[%select_n3A_303, %add3A_308, %dma_wait3A_312] : memref<4x8192x128xf32, #tpu.memory_space<hbm>> -> memref<1x128x128xf32, #tpu.memory_space<hbm>>
      %dma_wait3A_314 = tpu.memref_squeeze %dma_wait3A_313 : memref<1x128x128xf32, #tpu.memory_space<hbm>> -> memref<128x128xf32, #tpu.memory_space<hbm>>
      tpu.wait_dma2 semaphore(%arg13 : memref<!tpu.dma_semaphore, #tpu.memory_space<semaphore_mem>>) src(%arg8 : memref<128x128xf32, #tpu.memory_space<vmem>>) dst(%dma_wait3A_314 : memref<128x128xf32, #tpu.memory_space<hbm>>)
      %add3A_315 = arith.constant 4 : i32
      %add3A_316 = arith.addi %add3A_277, %add3A_315 : i32
      %sub3A_317 = arith.constant 1 : i32
      %sub3A_318 = arith.subi %add3A_316, %sub3A_317 : i32
      %lt3A_319 = arith.constant 8 : i32
      %lt3A_320 = arith.cmpi slt, %sub3A_318, %lt3A_319 : i32
      %convert_element_type3A_321 = arith.extui %lt3A_320 : i1 to i32
      %cond3A_322 = arith.constant 0 : i32
      %cond3A_323 = arith.cmpi ne, %convert_element_type3A_321, %cond3A_322 : i32
      scf.if %cond3A_323 {
        %add3A_476 = arith.constant 4 : i32
        %add3A_477 = arith.addi %add3A_277, %add3A_476 : i32
        %sub3A_478 = arith.constant 1 : i32
        %sub3A_479 = arith.subi %add3A_477, %sub3A_478 : i32
        %mul3A_480 = arith.constant 128 : i32
        %mul3A_481 = arith.muli %sub3A_479, %mul3A_480 : i32
        %dma_start3A_482 = tpu.memref_slice %arg6[%mul3A_481] : memref<1024xi32, #tpu.memory_space<vmem>> -> memref<128xi32, #tpu.memory_space<vmem>>
        %dma_start3A_483 = arith.constant 0 : i32
        %dma_start3A_484 = arith.constant 0 : i32
        %dma_start3A_485 = tpu.memref_slice %arg3[%dma_start3A_483, %dma_start3A_484] : memref<100000x128xf32, #tpu.memory_space<hbm>> -> memref<100000x128xf32, #tpu.memory_space<hbm>>
        tpu.enqueue_indirect_dma source(%dma_start3A_485 : memref<100000x128xf32, #tpu.memory_space<hbm>>) target(%arg8 : memref<128x128xf32, #tpu.memory_space<vmem>>) offsets(%dma_start3A_482 : memref<128xi32, #tpu.memory_space<vmem>>) semaphore(%arg12 : memref<!tpu.dma_semaphore, #tpu.memory_space<semaphore_mem>>)
      } else {
      }
      %mul3A_324 = arith.constant 128 : i32
      %mul3A_325 = arith.muli %add3A_277, %mul3A_324 : i32
      %dma_wait3A_326 = tpu.memref_slice %arg6[%mul3A_325] : memref<1024xi32, #tpu.memory_space<vmem>> -> memref<128xi32, #tpu.memory_space<vmem>>
      %dma_wait3A_327 = arith.constant 0 : i32
      %dma_wait3A_328 = arith.constant 0 : i32
      %dma_wait3A_329 = tpu.memref_slice %arg3[%dma_wait3A_327, %dma_wait3A_328] : memref<100000x128xf32, #tpu.memory_space<hbm>> -> memref<100000x128xf32, #tpu.memory_space<hbm>>
      tpu.wait_indirect_dma semaphore(%arg12 : memref<!tpu.dma_semaphore, #tpu.memory_space<semaphore_mem>>) src(%dma_wait3A_329 : memref<100000x128xf32, #tpu.memory_space<hbm>>) dst(%arg9 : memref<128x128xf32, #tpu.memory_space<vmem>>)
      %rem3A_330 = arith.constant 2 : i32
      %rem3A_331 = arith.remsi %add3A_277, %rem3A_330 : i32
      %mul3A_332 = arith.constant 128 : i32
      %mul3A_333 = arith.muli %rem3A_331, %mul3A_332 : i32
      %scan3A_334 = arith.constant 0 : i32
      %scan3A_335 = arith.constant 0 : i32
      %scan3A_336 = arith.constant 64 : i32
      %scan3A_337 = arith.addi %scan3A_335, %scan3A_336 : i32
      %scan3A_338 = arith.constant 1 : i32
      scf.for %scan3A_476 = %scan3A_335 to %scan3A_337 step %scan3A_338  : i32 {
        %mul3A_477 = arith.constant 2 : i32
        %mul3A_478 = arith.muli %scan3A_476, %mul3A_477 : i32
        %add3A_479 = arith.constant 0 : i32
        %add3A_480 = arith.addi %mul3A_478, %add3A_479 : i32
        %add3A_481 = arith.addi %mul3A_333, %mul3A_478 : i32
        %add3A_482 = arith.constant 0 : i32
        %add3A_483 = arith.addi %add3A_481, %add3A_482 : i32
        %get3A = arith.index_cast %add3A_483 : i32 to index
        %get3A_484 = arith.constant 0 : index
        %get3A_485 = tpu.vector_load %arg11[%get3A, %get3A_484] {strides = array<i32>} : memref<256x128xf32, #tpu.memory_space<vmem>>, vector<1x16xf32>,
        %get3A_486 = vector.shape_cast %get3A_485 : vector<1x16xf32> to vector<16xf32>
        %swap3A = arith.index_cast %add3A_480 : i32 to index
        %swap3A_487 = arith.constant 0 : index
        %swap3A_488 = tpu.vector_load %arg9[%swap3A, %swap3A_487] {strides = array<i32>} : memref<128x128xf32, #tpu.memory_space<vmem>>, vector<1x16xf32>,
        %swap3A_489 = vector.shape_cast %swap3A_488 : vector<1x16xf32> to vector<16xf32>
        %swap3A_490 = vector.shape_cast %get3A_486 : vector<16xf32> to vector<1x16xf32>
        tpu.vector_store %arg9[%swap3A, %swap3A_487], %swap3A_490 {add = true, strides = array<i32>} : memref<128x128xf32, #tpu.memory_space<vmem>>, vector<1x16xf32>,
        %add3A_491 = arith.constant 0 : i32
        %add3A_492 = arith.addi %mul3A_478, %add3A_491 : i32
        %add3A_493 = arith.addi %mul3A_333, %mul3A_478 : i32
        %add3A_494 = arith.constant 0 : i32
        %add3A_495 = arith.addi %add3A_493, %add3A_494 : i32
        %get3A_496 = arith.index_cast %add3A_495 : i32 to index
        %get3A_497 = arith.constant 16 : index
        %get3A_498 = tpu.vector_load %arg11[%get3A_496, %get3A_497] {strides = array<i32>} : memref<256x128xf32, #tpu.memory_space<vmem>>, vector<1x16xf32>,
        %get3A_499 = vector.shape_cast %get3A_498 : vector<1x16xf32> to vector<16xf32>
        %swap3A_500 = arith.index_cast %add3A_492 : i32 to index
        %swap3A_501 = arith.constant 16 : index
        %swap3A_502 = tpu.vector_load %arg9[%swap3A_500, %swap3A_501] {strides = array<i32>} : memref<128x128xf32, #tpu.memory_space<vmem>>, vector<1x16xf32>,
        %swap3A_503 = vector.shape_cast %swap3A_502 : vector<1x16xf32> to vector<16xf32>
        %swap3A_504 = vector.shape_cast %get3A_499 : vector<16xf32> to vector<1x16xf32>
        tpu.vector_store %arg9[%swap3A_500, %swap3A_501], %swap3A_504 {add = true, strides = array<i32>} : memref<128x128xf32, #tpu.memory_space<vmem>>, vector<1x16xf32>,
        %add3A_505 = arith.constant 0 : i32
        %add3A_506 = arith.addi %mul3A_478, %add3A_505 : i32
        %add3A_507 = arith.addi %mul3A_333, %mul3A_478 : i32
        %add3A_508 = arith.constant 0 : i32
        %add3A_509 = arith.addi %add3A_507, %add3A_508 : i32
        %get3A_510 = arith.index_cast %add3A_509 : i32 to index
        %get3A_511 = arith.constant 32 : index
        %get3A_512 = tpu.vector_load %arg11[%get3A_510, %get3A_511] {strides = array<i32>} : memref<256x128xf32, #tpu.memory_space<vmem>>, vector<1x16xf32>,
        %get3A_513 = vector.shape_cast %get3A_512 : vector<1x16xf32> to vector<16xf32>
        %swap3A_514 = arith.index_cast %add3A_506 : i32 to index
        %swap3A_515 = arith.constant 32 : index
        %swap3A_516 = tpu.vector_load %arg9[%swap3A_514, %swap3A_515] {strides = array<i32>} : memref<128x128xf32, #tpu.memory_space<vmem>>, vector<1x16xf32>,
        %swap3A_517 = vector.shape_cast %swap3A_516 : vector<1x16xf32> to vector<16xf32>
        %swap3A_518 = vector.shape_cast %get3A_513 : vector<16xf32> to vector<1x16xf32>
        tpu.vector_store %arg9[%swap3A_514, %swap3A_515], %swap3A_518 {add = true, strides = array<i32>} : memref<128x128xf32, #tpu.memory_space<vmem>>, vector<1x16xf32>,
        %add3A_519 = arith.constant 0 : i32
        %add3A_520 = arith.addi %mul3A_478, %add3A_519 : i32
        %add3A_521 = arith.addi %mul3A_333, %mul3A_478 : i32
        %add3A_522 = arith.constant 0 : i32
        %add3A_523 = arith.addi %add3A_521, %add3A_522 : i32
        %get3A_524 = arith.index_cast %add3A_523 : i32 to index
        %get3A_525 = arith.constant 48 : index
        %get3A_526 = tpu.vector_load %arg11[%get3A_524, %get3A_525] {strides = array<i32>} : memref<256x128xf32, #tpu.memory_space<vmem>>, vector<1x16xf32>,
        %get3A_527 = vector.shape_cast %get3A_526 : vector<1x16xf32> to vector<16xf32>
        %swap3A_528 = arith.index_cast %add3A_520 : i32 to index
        %swap3A_529 = arith.constant 48 : index
        %swap3A_530 = tpu.vector_load %arg9[%swap3A_528, %swap3A_529] {strides = array<i32>} : memref<128x128xf32, #tpu.memory_space<vmem>>, vector<1x16xf32>,
        %swap3A_531 = vector.shape_cast %swap3A_530 : vector<1x16xf32> to vector<16xf32>
        %swap3A_532 = vector.shape_cast %get3A_527 : vector<16xf32> to vector<1x16xf32>
        tpu.vector_store %arg9[%swap3A_528, %swap3A_529], %swap3A_532 {add = true, strides = array<i32>} : memref<128x128xf32, #tpu.memory_space<vmem>>, vector<1x16xf32>,
        %add3A_533 = arith.constant 0 : i32
        %add3A_534 = arith.addi %mul3A_478, %add3A_533 : i32
        %add3A_535 = arith.addi %mul3A_333, %mul3A_478 : i32
        %add3A_536 = arith.constant 0 : i32
        %add3A_537 = arith.addi %add3A_535, %add3A_536 : i32
        %get3A_538 = arith.index_cast %add3A_537 : i32 to index
        %get3A_539 = arith.constant 64 : index
        %get3A_540 = tpu.vector_load %arg11[%get3A_538, %get3A_539] {strides = array<i32>} : memref<256x128xf32, #tpu.memory_space<vmem>>, vector<1x16xf32>,
        %get3A_541 = vector.shape_cast %get3A_540 : vector<1x16xf32> to vector<16xf32>
        %swap3A_542 = arith.index_cast %add3A_534 : i32 to index
        %swap3A_543 = arith.constant 64 : index
        %swap3A_544 = tpu.vector_load %arg9[%swap3A_542, %swap3A_543] {strides = array<i32>} : memref<128x128xf32, #tpu.memory_space<vmem>>, vector<1x16xf32>,
        %swap3A_545 = vector.shape_cast %swap3A_544 : vector<1x16xf32> to vector<16xf32>
        %swap3A_546 = vector.shape_cast %get3A_541 : vector<16xf32> to vector<1x16xf32>
        tpu.vector_store %arg9[%swap3A_542, %swap3A_543], %swap3A_546 {add = true, strides = array<i32>} : memref<128x128xf32, #tpu.memory_space<vmem>>, vector<1x16xf32>,
        %add3A_547 = arith.constant 0 : i32
        %add3A_548 = arith.addi %mul3A_478, %add3A_547 : i32
        %add3A_549 = arith.addi %mul3A_333, %mul3A_478 : i32
        %add3A_550 = arith.constant 0 : i32
        %add3A_551 = arith.addi %add3A_549, %add3A_550 : i32
        %get3A_552 = arith.index_cast %add3A_551 : i32 to index
        %get3A_553 = arith.constant 80 : index
        %get3A_554 = tpu.vector_load %arg11[%get3A_552, %get3A_553] {strides = array<i32>} : memref<256x128xf32, #tpu.memory_space<vmem>>, vector<1x16xf32>,
        %get3A_555 = vector.shape_cast %get3A_554 : vector<1x16xf32> to vector<16xf32>
        %swap3A_556 = arith.index_cast %add3A_548 : i32 to index
        %swap3A_557 = arith.constant 80 : index
        %swap3A_558 = tpu.vector_load %arg9[%swap3A_556, %swap3A_557] {strides = array<i32>} : memref<128x128xf32, #tpu.memory_space<vmem>>, vector<1x16xf32>,
        %swap3A_559 = vector.shape_cast %swap3A_558 : vector<1x16xf32> to vector<16xf32>
        %swap3A_560 = vector.shape_cast %get3A_555 : vector<16xf32> to vector<1x16xf32>
        tpu.vector_store %arg9[%swap3A_556, %swap3A_557], %swap3A_560 {add = true, strides = array<i32>} : memref<128x128xf32, #tpu.memory_space<vmem>>, vector<1x16xf32>,
        %add3A_561 = arith.constant 0 : i32
        %add3A_562 = arith.addi %mul3A_478, %add3A_561 : i32
        %add3A_563 = arith.addi %mul3A_333, %mul3A_478 : i32
        %add3A_564 = arith.constant 0 : i32
        %add3A_565 = arith.addi %add3A_563, %add3A_564 : i32
        %get3A_566 = arith.index_cast %add3A_565 : i32 to index
        %get3A_567 = arith.constant 96 : index
        %get3A_568 = tpu.vector_load %arg11[%get3A_566, %get3A_567] {strides = array<i32>} : memref<256x128xf32, #tpu.memory_space<vmem>>, vector<1x16xf32>,
        %get3A_569 = vector.shape_cast %get3A_568 : vector<1x16xf32> to vector<16xf32>
        %swap3A_570 = arith.index_cast %add3A_562 : i32 to index
        %swap3A_571 = arith.constant 96 : index
        %swap3A_572 = tpu.vector_load %arg9[%swap3A_570, %swap3A_571] {strides = array<i32>} : memref<128x128xf32, #tpu.memory_space<vmem>>, vector<1x16xf32>,
        %swap3A_573 = vector.shape_cast %swap3A_572 : vector<1x16xf32> to vector<16xf32>
        %swap3A_574 = vector.shape_cast %get3A_569 : vector<16xf32> to vector<1x16xf32>
        tpu.vector_store %arg9[%swap3A_570, %swap3A_571], %swap3A_574 {add = true, strides = array<i32>} : memref<128x128xf32, #tpu.memory_space<vmem>>, vector<1x16xf32>,
        %add3A_575 = arith.constant 0 : i32
        %add3A_576 = arith.addi %mul3A_478, %add3A_575 : i32
        %add3A_577 = arith.addi %mul3A_333, %mul3A_478 : i32
        %add3A_578 = arith.constant 0 : i32
        %add3A_579 = arith.addi %add3A_577, %add3A_578 : i32
        %get3A_580 = arith.index_cast %add3A_579 : i32 to index
        %get3A_581 = arith.constant 112 : index
        %get3A_582 = tpu.vector_load %arg11[%get3A_580, %get3A_581] {strides = array<i32>} : memref<256x128xf32, #tpu.memory_space<vmem>>, vector<1x16xf32>,
        %get3A_583 = vector.shape_cast %get3A_582 : vector<1x16xf32> to vector<16xf32>
        %swap3A_584 = arith.index_cast %add3A_576 : i32 to index
        %swap3A_585 = arith.constant 112 : index
        %swap3A_586 = tpu.vector_load %arg9[%swap3A_584, %swap3A_585] {strides = array<i32>} : memref<128x128xf32, #tpu.memory_space<vmem>>, vector<1x16xf32>,
        %swap3A_587 = vector.shape_cast %swap3A_586 : vector<1x16xf32> to vector<16xf32>
        %swap3A_588 = vector.shape_cast %get3A_583 : vector<16xf32> to vector<1x16xf32>
        tpu.vector_store %arg9[%swap3A_584, %swap3A_585], %swap3A_588 {add = true, strides = array<i32>} : memref<128x128xf32, #tpu.memory_space<vmem>>, vector<1x16xf32>,
        %add3A_589 = arith.constant 1 : i32
        %add3A_590 = arith.addi %mul3A_478, %add3A_589 : i32
        %add3A_591 = arith.addi %mul3A_333, %mul3A_478 : i32
        %add3A_592 = arith.constant 1 : i32
        %add3A_593 = arith.addi %add3A_591, %add3A_592 : i32
        %get3A_594 = arith.index_cast %add3A_593 : i32 to index
        %get3A_595 = arith.constant 0 : index
        %get3A_596 = tpu.vector_load %arg11[%get3A_594, %get3A_595] {strides = array<i32>} : memref<256x128xf32, #tpu.memory_space<vmem>>, vector<1x16xf32>,
        %get3A_597 = vector.shape_cast %get3A_596 : vector<1x16xf32> to vector<16xf32>
        %swap3A_598 = arith.index_cast %add3A_590 : i32 to index
        %swap3A_599 = arith.constant 0 : index
        %swap3A_600 = tpu.vector_load %arg9[%swap3A_598, %swap3A_599] {strides = array<i32>} : memref<128x128xf32, #tpu.memory_space<vmem>>, vector<1x16xf32>,
        %swap3A_601 = vector.shape_cast %swap3A_600 : vector<1x16xf32> to vector<16xf32>
        %swap3A_602 = vector.shape_cast %get3A_597 : vector<16xf32> to vector<1x16xf32>
        tpu.vector_store %arg9[%swap3A_598, %swap3A_599], %swap3A_602 {add = true, strides = array<i32>} : memref<128x128xf32, #tpu.memory_space<vmem>>, vector<1x16xf32>,
        %add3A_603 = arith.constant 1 : i32
        %add3A_604 = arith.addi %mul3A_478, %add3A_603 : i32
        %add3A_605 = arith.addi %mul3A_333, %mul3A_478 : i32
        %add3A_606 = arith.constant 1 : i32
        %add3A_607 = arith.addi %add3A_605, %add3A_606 : i32
        %get3A_608 = arith.index_cast %add3A_607 : i32 to index
        %get3A_609 = arith.constant 16 : index
        %get3A_610 = tpu.vector_load %arg11[%get3A_608, %get3A_609] {strides = array<i32>} : memref<256x128xf32, #tpu.memory_space<vmem>>, vector<1x16xf32>,
        %get3A_611 = vector.shape_cast %get3A_610 : vector<1x16xf32> to vector<16xf32>
        %swap3A_612 = arith.index_cast %add3A_604 : i32 to index
        %swap3A_613 = arith.constant 16 : index
        %swap3A_614 = tpu.vector_load %arg9[%swap3A_612, %swap3A_613] {strides = array<i32>} : memref<128x128xf32, #tpu.memory_space<vmem>>, vector<1x16xf32>,
        %swap3A_615 = vector.shape_cast %swap3A_614 : vector<1x16xf32> to vector<16xf32>
        %swap3A_616 = vector.shape_cast %get3A_611 : vector<16xf32> to vector<1x16xf32>
        tpu.vector_store %arg9[%swap3A_612, %swap3A_613], %swap3A_616 {add = true, strides = array<i32>} : memref<128x128xf32, #tpu.memory_space<vmem>>, vector<1x16xf32>,
        %add3A_617 = arith.constant 1 : i32
        %add3A_618 = arith.addi %mul3A_478, %add3A_617 : i32
        %add3A_619 = arith.addi %mul3A_333, %mul3A_478 : i32
        %add3A_620 = arith.constant 1 : i32
        %add3A_621 = arith.addi %add3A_619, %add3A_620 : i32
        %get3A_622 = arith.index_cast %add3A_621 : i32 to index
        %get3A_623 = arith.constant 32 : index
        %get3A_624 = tpu.vector_load %arg11[%get3A_622, %get3A_623] {strides = array<i32>} : memref<256x128xf32, #tpu.memory_space<vmem>>, vector<1x16xf32>,
        %get3A_625 = vector.shape_cast %get3A_624 : vector<1x16xf32> to vector<16xf32>
        %swap3A_626 = arith.index_cast %add3A_618 : i32 to index
        %swap3A_627 = arith.constant 32 : index
        %swap3A_628 = tpu.vector_load %arg9[%swap3A_626, %swap3A_627] {strides = array<i32>} : memref<128x128xf32, #tpu.memory_space<vmem>>, vector<1x16xf32>,
        %swap3A_629 = vector.shape_cast %swap3A_628 : vector<1x16xf32> to vector<16xf32>
        %swap3A_630 = vector.shape_cast %get3A_625 : vector<16xf32> to vector<1x16xf32>
        tpu.vector_store %arg9[%swap3A_626, %swap3A_627], %swap3A_630 {add = true, strides = array<i32>} : memref<128x128xf32, #tpu.memory_space<vmem>>, vector<1x16xf32>,
        %add3A_631 = arith.constant 1 : i32
        %add3A_632 = arith.addi %mul3A_478, %add3A_631 : i32
        %add3A_633 = arith.addi %mul3A_333, %mul3A_478 : i32
        %add3A_634 = arith.constant 1 : i32
        %add3A_635 = arith.addi %add3A_633, %add3A_634 : i32
        %get3A_636 = arith.index_cast %add3A_635 : i32 to index
        %get3A_637 = arith.constant 48 : index
        %get3A_638 = tpu.vector_load %arg11[%get3A_636, %get3A_637] {strides = array<i32>} : memref<256x128xf32, #tpu.memory_space<vmem>>, vector<1x16xf32>,
        %get3A_639 = vector.shape_cast %get3A_638 : vector<1x16xf32> to vector<16xf32>
        %swap3A_640 = arith.index_cast %add3A_632 : i32 to index
        %swap3A_641 = arith.constant 48 : index
        %swap3A_642 = tpu.vector_load %arg9[%swap3A_640, %swap3A_641] {strides = array<i32>} : memref<128x128xf32, #tpu.memory_space<vmem>>, vector<1x16xf32>,
        %swap3A_643 = vector.shape_cast %swap3A_642 : vector<1x16xf32> to vector<16xf32>
        %swap3A_644 = vector.shape_cast %get3A_639 : vector<16xf32> to vector<1x16xf32>
        tpu.vector_store %arg9[%swap3A_640, %swap3A_641], %swap3A_644 {add = true, strides = array<i32>} : memref<128x128xf32, #tpu.memory_space<vmem>>, vector<1x16xf32>,
        %add3A_645 = arith.constant 1 : i32
        %add3A_646 = arith.addi %mul3A_478, %add3A_645 : i32
        %add3A_647 = arith.addi %mul3A_333, %mul3A_478 : i32
        %add3A_648 = arith.constant 1 : i32
        %add3A_649 = arith.addi %add3A_647, %add3A_648 : i32
        %get3A_650 = arith.index_cast %add3A_649 : i32 to index
        %get3A_651 = arith.constant 64 : index
        %get3A_652 = tpu.vector_load %arg11[%get3A_650, %get3A_651] {strides = array<i32>} : memref<256x128xf32, #tpu.memory_space<vmem>>, vector<1x16xf32>,
        %get3A_653 = vector.shape_cast %get3A_652 : vector<1x16xf32> to vector<16xf32>
        %swap3A_654 = arith.index_cast %add3A_646 : i32 to index
        %swap3A_655 = arith.constant 64 : index
        %swap3A_656 = tpu.vector_load %arg9[%swap3A_654, %swap3A_655] {strides = array<i32>} : memref<128x128xf32, #tpu.memory_space<vmem>>, vector<1x16xf32>,
        %swap3A_657 = vector.shape_cast %swap3A_656 : vector<1x16xf32> to vector<16xf32>
        %swap3A_658 = vector.shape_cast %get3A_653 : vector<16xf32> to vector<1x16xf32>
        tpu.vector_store %arg9[%swap3A_654, %swap3A_655], %swap3A_658 {add = true, strides = array<i32>} : memref<128x128xf32, #tpu.memory_space<vmem>>, vector<1x16xf32>,
        %add3A_659 = arith.constant 1 : i32
        %add3A_660 = arith.addi %mul3A_478, %add3A_659 : i32
        %add3A_661 = arith.addi %mul3A_333, %mul3A_478 : i32
        %add3A_662 = arith.constant 1 : i32
        %add3A_663 = arith.addi %add3A_661, %add3A_662 : i32
        %get3A_664 = arith.index_cast %add3A_663 : i32 to index
        %get3A_665 = arith.constant 80 : index
        %get3A_666 = tpu.vector_load %arg11[%get3A_664, %get3A_665] {strides = array<i32>} : memref<256x128xf32, #tpu.memory_space<vmem>>, vector<1x16xf32>,
        %get3A_667 = vector.shape_cast %get3A_666 : vector<1x16xf32> to vector<16xf32>
        %swap3A_668 = arith.index_cast %add3A_660 : i32 to index
        %swap3A_669 = arith.constant 80 : index
        %swap3A_670 = tpu.vector_load %arg9[%swap3A_668, %swap3A_669] {strides = array<i32>} : memref<128x128xf32, #tpu.memory_space<vmem>>, vector<1x16xf32>,
        %swap3A_671 = vector.shape_cast %swap3A_670 : vector<1x16xf32> to vector<16xf32>
        %swap3A_672 = vector.shape_cast %get3A_667 : vector<16xf32> to vector<1x16xf32>
        tpu.vector_store %arg9[%swap3A_668, %swap3A_669], %swap3A_672 {add = true, strides = array<i32>} : memref<128x128xf32, #tpu.memory_space<vmem>>, vector<1x16xf32>,
        %add3A_673 = arith.constant 1 : i32
        %add3A_674 = arith.addi %mul3A_478, %add3A_673 : i32
        %add3A_675 = arith.addi %mul3A_333, %mul3A_478 : i32
        %add3A_676 = arith.constant 1 : i32
        %add3A_677 = arith.addi %add3A_675, %add3A_676 : i32
        %get3A_678 = arith.index_cast %add3A_677 : i32 to index
        %get3A_679 = arith.constant 96 : index
        %get3A_680 = tpu.vector_load %arg11[%get3A_678, %get3A_679] {strides = array<i32>} : memref<256x128xf32, #tpu.memory_space<vmem>>, vector<1x16xf32>,
        %get3A_681 = vector.shape_cast %get3A_680 : vector<1x16xf32> to vector<16xf32>
        %swap3A_682 = arith.index_cast %add3A_674 : i32 to index
        %swap3A_683 = arith.constant 96 : index
        %swap3A_684 = tpu.vector_load %arg9[%swap3A_682, %swap3A_683] {strides = array<i32>} : memref<128x128xf32, #tpu.memory_space<vmem>>, vector<1x16xf32>,
        %swap3A_685 = vector.shape_cast %swap3A_684 : vector<1x16xf32> to vector<16xf32>
        %swap3A_686 = vector.shape_cast %get3A_681 : vector<16xf32> to vector<1x16xf32>
        tpu.vector_store %arg9[%swap3A_682, %swap3A_683], %swap3A_686 {add = true, strides = array<i32>} : memref<128x128xf32, #tpu.memory_space<vmem>>, vector<1x16xf32>,
        %add3A_687 = arith.constant 1 : i32
        %add3A_688 = arith.addi %mul3A_478, %add3A_687 : i32
        %add3A_689 = arith.addi %mul3A_333, %mul3A_478 : i32
        %add3A_690 = arith.constant 1 : i32
        %add3A_691 = arith.addi %add3A_689, %add3A_690 : i32
        %get3A_692 = arith.index_cast %add3A_691 : i32 to index
        %get3A_693 = arith.constant 112 : index
        %get3A_694 = tpu.vector_load %arg11[%get3A_692, %get3A_693] {strides = array<i32>} : memref<256x128xf32, #tpu.memory_space<vmem>>, vector<1x16xf32>,
        %get3A_695 = vector.shape_cast %get3A_694 : vector<1x16xf32> to vector<16xf32>
        %swap3A_696 = arith.index_cast %add3A_688 : i32 to index
        %swap3A_697 = arith.constant 112 : index
        %swap3A_698 = tpu.vector_load %arg9[%swap3A_696, %swap3A_697] {strides = array<i32>} : memref<128x128xf32, #tpu.memory_space<vmem>>, vector<1x16xf32>,
        %swap3A_699 = vector.shape_cast %swap3A_698 : vector<1x16xf32> to vector<16xf32>
        %swap3A_700 = vector.shape_cast %get3A_695 : vector<16xf32> to vector<1x16xf32>
        tpu.vector_store %arg9[%swap3A_696, %swap3A_697], %swap3A_700 {add = true, strides = array<i32>} : memref<128x128xf32, #tpu.memory_space<vmem>>, vector<1x16xf32>,
      }
      %scan3A_339 = arith.constant 64 : i32
      %jit3A_340 = arith.constant 2 : i32
      %div3A_341 = arith.divsi %add3A_277, %jit3A_340 : i32
      %sign3A_342 = arith.constant 0 : i32
      %sign3A_343 = arith.cmpi sgt, %add3A_277, %sign3A_342 : i32
      %sign3A_344 = arith.extui %sign3A_343 : i1 to i32
      %sign3A_345 = arith.constant 0 : i32
      %sign3A_346 = arith.cmpi slt, %add3A_277, %sign3A_345 : i32
      %sign3A_347 = arith.extui %sign3A_346 : i1 to i32
      %sign3A_348 = arith.subi %sign3A_344, %sign3A_347 : i32
      %sign3A_349 = arith.constant 0 : i32
      %sign3A_350 = arith.cmpi sgt, %jit3A_340, %sign3A_349 : i32
      %sign3A_351 = arith.extui %sign3A_350 : i1 to i32
      %sign3A_352 = arith.constant 0 : i32
      %sign3A_353 = arith.cmpi slt, %jit3A_340, %sign3A_352 : i32
      %sign3A_354 = arith.extui %sign3A_353 : i1 to i32
      %sign3A_355 = arith.subi %sign3A_351, %sign3A_354 : i32
      %ne3A_356 = arith.cmpi ne, %sign3A_348, %sign3A_355 : i32
      %rem3A_357 = arith.remsi %add3A_277, %jit3A_340 : i32
      %ne3A_358 = arith.constant 0 : i32
      %ne3A_359 = arith.cmpi ne, %rem3A_357, %ne3A_358 : i32
      %and3A_360 = arith.andi %ne3A_356, %ne3A_359 : i1
      %sub3A_361 = arith.constant 1 : i32
      %sub3A_362 = arith.subi %div3A_341, %sub3A_361 : i32
      %select_n3A_363 = arith.select %and3A_360, %sub3A_362, %div3A_341 : i32
      %rem3A_364 = arith.constant 2 : i32
      %rem3A_365 = arith.remsi %add3A_277, %rem3A_364 : i32
      %mul3A_366 = arith.constant 128 : i32
      %mul3A_367 = arith.muli %rem3A_365, %mul3A_366 : i32
      %add3A_368 = arith.addi %mul3A_2, %mul3A_367 : i32
      %dma_start3A_369 = arith.constant 0 : i32
      %dma_start3A_370 = tpu.memref_slice %arg5[%select_n3A_363, %add3A_368, %dma_start3A_369] : memref<4x8192x128xf32, #tpu.memory_space<hbm>> -> memref<1x128x128xf32, #tpu.memory_space<hbm>>
      %dma_start3A_371 = tpu.memref_squeeze %dma_start3A_370 : memref<1x128x128xf32, #tpu.memory_space<hbm>> -> memref<128x128xf32, #tpu.memory_space<hbm>>
      %dma_start3A_372 = arith.constant 0 : i32
      %dma_start3A_373 = tpu.memref_slice %arg5[%select_n3A_363, %add3A_368, %dma_start3A_372] : memref<4x8192x128xf32, #tpu.memory_space<hbm>> -> memref<1x128x128xf32, #tpu.memory_space<hbm>>
      %dma_start3A_374 = tpu.memref_squeeze %dma_start3A_373 : memref<1x128x128xf32, #tpu.memory_space<hbm>> -> memref<128x128xf32, #tpu.memory_space<hbm>>
      tpu.enqueue_dma source(%arg9 : memref<128x128xf32, #tpu.memory_space<vmem>>) target(%dma_start3A_374 : memref<128x128xf32, #tpu.memory_space<hbm>>) target_semaphore(%arg13 : memref<!tpu.dma_semaphore, #tpu.memory_space<semaphore_mem>>)
      %mul3A_375 = arith.constant 4 : i32
      %mul3A_376 = arith.muli %scan3A_109, %mul3A_375 : i32
      %add3A_377 = arith.constant 3 : i32
      %add3A_378 = arith.addi %mul3A_376, %add3A_377 : i32
      %sub3A_379 = arith.constant 1 : i32
      %sub3A_380 = arith.subi %add3A_378, %sub3A_379 : i32
      %jit3A_381 = arith.constant 2 : i32
      %div3A_382 = arith.divsi %sub3A_380, %jit3A_381 : i32
      %sign3A_383 = arith.constant 0 : i32
      %sign3A_384 = arith.cmpi sgt, %sub3A_380, %sign3A_383 : i32
      %sign3A_385 = arith.extui %sign3A_384 : i1 to i32
      %sign3A_386 = arith.constant 0 : i32
      %sign3A_387 = arith.cmpi slt, %sub3A_380, %sign3A_386 : i32
      %sign3A_388 = arith.extui %sign3A_387 : i1 to i32
      %sign3A_389 = arith.subi %sign3A_385, %sign3A_388 : i32
      %sign3A_390 = arith.constant 0 : i32
      %sign3A_391 = arith.cmpi sgt, %jit3A_381, %sign3A_390 : i32
      %sign3A_392 = arith.extui %sign3A_391 : i1 to i32
      %sign3A_393 = arith.constant 0 : i32
      %sign3A_394 = arith.cmpi slt, %jit3A_381, %sign3A_393 : i32
      %sign3A_395 = arith.extui %sign3A_394 : i1 to i32
      %sign3A_396 = arith.subi %sign3A_392, %sign3A_395 : i32
      %ne3A_397 = arith.cmpi ne, %sign3A_389, %sign3A_396 : i32
      %rem3A_398 = arith.remsi %sub3A_380, %jit3A_381 : i32
      %ne3A_399 = arith.constant 0 : i32
      %ne3A_400 = arith.cmpi ne, %rem3A_398, %ne3A_399 : i32
      %and3A_401 = arith.andi %ne3A_397, %ne3A_400 : i1
      %sub3A_402 = arith.constant 1 : i32
      %sub3A_403 = arith.subi %div3A_382, %sub3A_402 : i32
      %select_n3A_404 = arith.select %and3A_401, %sub3A_403, %div3A_382 : i32
      %rem3A_405 = arith.constant 2 : i32
      %rem3A_406 = arith.remsi %sub3A_380, %rem3A_405 : i32
      %mul3A_407 = arith.constant 128 : i32
      %mul3A_408 = arith.muli %rem3A_406, %mul3A_407 : i32
      %add3A_409 = arith.addi %mul3A_2, %mul3A_408 : i32
      %dma_wait3A_410 = arith.constant 0 : i32
      %dma_wait3A_411 = tpu.memref_slice %arg5[%select_n3A_404, %add3A_409, %dma_wait3A_410] : memref<4x8192x128xf32, #tpu.memory_space<hbm>> -> memref<1x128x128xf32, #tpu.memory_space<hbm>>
      %dma_wait3A_412 = tpu.memref_squeeze %dma_wait3A_411 : memref<1x128x128xf32, #tpu.memory_space<hbm>> -> memref<128x128xf32, #tpu.memory_space<hbm>>
      %dma_wait3A_413 = arith.constant 0 : i32
      %dma_wait3A_414 = tpu.memref_slice %arg5[%select_n3A_404, %add3A_409, %dma_wait3A_413] : memref<4x8192x128xf32, #tpu.memory_space<hbm>> -> memref<1x128x128xf32, #tpu.memory_space<hbm>>
      %dma_wait3A_415 = tpu.memref_squeeze %dma_wait3A_414 : memref<1x128x128xf32, #tpu.memory_space<hbm>> -> memref<128x128xf32, #tpu.memory_space<hbm>>
      tpu.wait_dma2 semaphore(%arg13 : memref<!tpu.dma_semaphore, #tpu.memory_space<semaphore_mem>>) src(%arg9 : memref<128x128xf32, #tpu.memory_space<vmem>>) dst(%dma_wait3A_415 : memref<128x128xf32, #tpu.memory_space<hbm>>)
      %add3A_416 = arith.constant 4 : i32
      %add3A_417 = arith.addi %add3A_378, %add3A_416 : i32
      %sub3A_418 = arith.constant 1 : i32
      %sub3A_419 = arith.subi %add3A_417, %sub3A_418 : i32
      %lt3A_420 = arith.constant 8 : i32
      %lt3A_421 = arith.cmpi slt, %sub3A_419, %lt3A_420 : i32
      %convert_element_type3A_422 = arith.extui %lt3A_421 : i1 to i32
      %cond3A_423 = arith.constant 0 : i32
      %cond3A_424 = arith.cmpi ne, %convert_element_type3A_422, %cond3A_423 : i32
      scf.if %cond3A_424 {
        %add3A_476 = arith.constant 4 : i32
        %add3A_477 = arith.addi %add3A_378, %add3A_476 : i32
        %sub3A_478 = arith.constant 1 : i32
        %sub3A_479 = arith.subi %add3A_477, %sub3A_478 : i32
        %mul3A_480 = arith.constant 128 : i32
        %mul3A_481 = arith.muli %sub3A_479, %mul3A_480 : i32
        %dma_start3A_482 = tpu.memref_slice %arg6[%mul3A_481] : memref<1024xi32, #tpu.memory_space<vmem>> -> memref<128xi32, #tpu.memory_space<vmem>>
        %dma_start3A_483 = arith.constant 0 : i32
        %dma_start3A_484 = arith.constant 0 : i32
        %dma_start3A_485 = tpu.memref_slice %arg3[%dma_start3A_483, %dma_start3A_484] : memref<100000x128xf32, #tpu.memory_space<hbm>> -> memref<100000x128xf32, #tpu.memory_space<hbm>>
        tpu.enqueue_indirect_dma source(%dma_start3A_485 : memref<100000x128xf32, #tpu.memory_space<hbm>>) target(%arg9 : memref<128x128xf32, #tpu.memory_space<vmem>>) offsets(%dma_start3A_482 : memref<128xi32, #tpu.memory_space<vmem>>) semaphore(%arg12 : memref<!tpu.dma_semaphore, #tpu.memory_space<semaphore_mem>>)
      } else {
      }
      %mul3A_425 = arith.constant 128 : i32
      %mul3A_426 = arith.muli %add3A_378, %mul3A_425 : i32
      %dma_wait3A_427 = tpu.memref_slice %arg6[%mul3A_426] : memref<1024xi32, #tpu.memory_space<vmem>> -> memref<128xi32, #tpu.memory_space<vmem>>
      %dma_wait3A_428 = arith.constant 0 : i32
      %dma_wait3A_429 = arith.constant 0 : i32
      %dma_wait3A_430 = tpu.memref_slice %arg3[%dma_wait3A_428, %dma_wait3A_429] : memref<100000x128xf32, #tpu.memory_space<hbm>> -> memref<100000x128xf32, #tpu.memory_space<hbm>>
      tpu.wait_indirect_dma semaphore(%arg12 : memref<!tpu.dma_semaphore, #tpu.memory_space<semaphore_mem>>) src(%dma_wait3A_430 : memref<100000x128xf32, #tpu.memory_space<hbm>>) dst(%arg10 : memref<128x128xf32, #tpu.memory_space<vmem>>)
      %rem3A_431 = arith.constant 2 : i32
      %rem3A_432 = arith.remsi %add3A_378, %rem3A_431 : i32
      %mul3A_433 = arith.constant 128 : i32
      %mul3A_434 = arith.muli %rem3A_432, %mul3A_433 : i32
      %scan3A_435 = arith.constant 0 : i32
      %scan3A_436 = arith.constant 0 : i32
      %scan3A_437 = arith.constant 64 : i32
      %scan3A_438 = arith.addi %scan3A_436, %scan3A_437 : i32
      %scan3A_439 = arith.constant 1 : i32
      scf.for %scan3A_476 = %scan3A_436 to %scan3A_438 step %scan3A_439  : i32 {
        %mul3A_477 = arith.constant 2 : i32
        %mul3A_478 = arith.muli %scan3A_476, %mul3A_477 : i32
        %add3A_479 = arith.constant 0 : i32
        %add3A_480 = arith.addi %mul3A_478, %add3A_479 : i32
        %add3A_481 = arith.addi %mul3A_434, %mul3A_478 : i32
        %add3A_482 = arith.constant 0 : i32
        %add3A_483 = arith.addi %add3A_481, %add3A_482 : i32
        %get3A = arith.index_cast %add3A_483 : i32 to index
        %get3A_484 = arith.constant 0 : index
        %get3A_485 = tpu.vector_load %arg11[%get3A, %get3A_484] {strides = array<i32>} : memref<256x128xf32, #tpu.memory_space<vmem>>, vector<1x16xf32>,
        %get3A_486 = vector.shape_cast %get3A_485 : vector<1x16xf32> to vector<16xf32>
        %swap3A = arith.index_cast %add3A_480 : i32 to index
        %swap3A_487 = arith.constant 0 : index
        %swap3A_488 = tpu.vector_load %arg10[%swap3A, %swap3A_487] {strides = array<i32>} : memref<128x128xf32, #tpu.memory_space<vmem>>, vector<1x16xf32>,
        %swap3A_489 = vector.shape_cast %swap3A_488 : vector<1x16xf32> to vector<16xf32>
        %swap3A_490 = vector.shape_cast %get3A_486 : vector<16xf32> to vector<1x16xf32>
        tpu.vector_store %arg10[%swap3A, %swap3A_487], %swap3A_490 {add = true, strides = array<i32>} : memref<128x128xf32, #tpu.memory_space<vmem>>, vector<1x16xf32>,
        %add3A_491 = arith.constant 0 : i32
        %add3A_492 = arith.addi %mul3A_478, %add3A_491 : i32
        %add3A_493 = arith.addi %mul3A_434, %mul3A_478 : i32
        %add3A_494 = arith.constant 0 : i32
        %add3A_495 = arith.addi %add3A_493, %add3A_494 : i32
        %get3A_496 = arith.index_cast %add3A_495 : i32 to index
        %get3A_497 = arith.constant 16 : index
        %get3A_498 = tpu.vector_load %arg11[%get3A_496, %get3A_497] {strides = array<i32>} : memref<256x128xf32, #tpu.memory_space<vmem>>, vector<1x16xf32>,
        %get3A_499 = vector.shape_cast %get3A_498 : vector<1x16xf32> to vector<16xf32>
        %swap3A_500 = arith.index_cast %add3A_492 : i32 to index
        %swap3A_501 = arith.constant 16 : index
        %swap3A_502 = tpu.vector_load %arg10[%swap3A_500, %swap3A_501] {strides = array<i32>} : memref<128x128xf32, #tpu.memory_space<vmem>>, vector<1x16xf32>,
        %swap3A_503 = vector.shape_cast %swap3A_502 : vector<1x16xf32> to vector<16xf32>
        %swap3A_504 = vector.shape_cast %get3A_499 : vector<16xf32> to vector<1x16xf32>
        tpu.vector_store %arg10[%swap3A_500, %swap3A_501], %swap3A_504 {add = true, strides = array<i32>} : memref<128x128xf32, #tpu.memory_space<vmem>>, vector<1x16xf32>,
        %add3A_505 = arith.constant 0 : i32
        %add3A_506 = arith.addi %mul3A_478, %add3A_505 : i32
        %add3A_507 = arith.addi %mul3A_434, %mul3A_478 : i32
        %add3A_508 = arith.constant 0 : i32
        %add3A_509 = arith.addi %add3A_507, %add3A_508 : i32
        %get3A_510 = arith.index_cast %add3A_509 : i32 to index
        %get3A_511 = arith.constant 32 : index
        %get3A_512 = tpu.vector_load %arg11[%get3A_510, %get3A_511] {strides = array<i32>} : memref<256x128xf32, #tpu.memory_space<vmem>>, vector<1x16xf32>,
        %get3A_513 = vector.shape_cast %get3A_512 : vector<1x16xf32> to vector<16xf32>
        %swap3A_514 = arith.index_cast %add3A_506 : i32 to index
        %swap3A_515 = arith.constant 32 : index
        %swap3A_516 = tpu.vector_load %arg10[%swap3A_514, %swap3A_515] {strides = array<i32>} : memref<128x128xf32, #tpu.memory_space<vmem>>, vector<1x16xf32>,
        %swap3A_517 = vector.shape_cast %swap3A_516 : vector<1x16xf32> to vector<16xf32>
        %swap3A_518 = vector.shape_cast %get3A_513 : vector<16xf32> to vector<1x16xf32>
        tpu.vector_store %arg10[%swap3A_514, %swap3A_515], %swap3A_518 {add = true, strides = array<i32>} : memref<128x128xf32, #tpu.memory_space<vmem>>, vector<1x16xf32>,
        %add3A_519 = arith.constant 0 : i32
        %add3A_520 = arith.addi %mul3A_478, %add3A_519 : i32
        %add3A_521 = arith.addi %mul3A_434, %mul3A_478 : i32
        %add3A_522 = arith.constant 0 : i32
        %add3A_523 = arith.addi %add3A_521, %add3A_522 : i32
        %get3A_524 = arith.index_cast %add3A_523 : i32 to index
        %get3A_525 = arith.constant 48 : index
        %get3A_526 = tpu.vector_load %arg11[%get3A_524, %get3A_525] {strides = array<i32>} : memref<256x128xf32, #tpu.memory_space<vmem>>, vector<1x16xf32>,
        %get3A_527 = vector.shape_cast %get3A_526 : vector<1x16xf32> to vector<16xf32>
        %swap3A_528 = arith.index_cast %add3A_520 : i32 to index
        %swap3A_529 = arith.constant 48 : index
        %swap3A_530 = tpu.vector_load %arg10[%swap3A_528, %swap3A_529] {strides = array<i32>} : memref<128x128xf32, #tpu.memory_space<vmem>>, vector<1x16xf32>,
        %swap3A_531 = vector.shape_cast %swap3A_530 : vector<1x16xf32> to vector<16xf32>
        %swap3A_532 = vector.shape_cast %get3A_527 : vector<16xf32> to vector<1x16xf32>
        tpu.vector_store %arg10[%swap3A_528, %swap3A_529], %swap3A_532 {add = true, strides = array<i32>} : memref<128x128xf32, #tpu.memory_space<vmem>>, vector<1x16xf32>,
        %add3A_533 = arith.constant 0 : i32
        %add3A_534 = arith.addi %mul3A_478, %add3A_533 : i32
        %add3A_535 = arith.addi %mul3A_434, %mul3A_478 : i32
        %add3A_536 = arith.constant 0 : i32
        %add3A_537 = arith.addi %add3A_535, %add3A_536 : i32
        %get3A_538 = arith.index_cast %add3A_537 : i32 to index
        %get3A_539 = arith.constant 64 : index
        %get3A_540 = tpu.vector_load %arg11[%get3A_538, %get3A_539] {strides = array<i32>} : memref<256x128xf32, #tpu.memory_space<vmem>>, vector<1x16xf32>,
        %get3A_541 = vector.shape_cast %get3A_540 : vector<1x16xf32> to vector<16xf32>
        %swap3A_542 = arith.index_cast %add3A_534 : i32 to index
        %swap3A_543 = arith.constant 64 : index
        %swap3A_544 = tpu.vector_load %arg10[%swap3A_542, %swap3A_543] {strides = array<i32>} : memref<128x128xf32, #tpu.memory_space<vmem>>, vector<1x16xf32>,
        %swap3A_545 = vector.shape_cast %swap3A_544 : vector<1x16xf32> to vector<16xf32>
        %swap3A_546 = vector.shape_cast %get3A_541 : vector<16xf32> to vector<1x16xf32>
        tpu.vector_store %arg10[%swap3A_542, %swap3A_543], %swap3A_546 {add = true, strides = array<i32>} : memref<128x128xf32, #tpu.memory_space<vmem>>, vector<1x16xf32>,
        %add3A_547 = arith.constant 0 : i32
        %add3A_548 = arith.addi %mul3A_478, %add3A_547 : i32
        %add3A_549 = arith.addi %mul3A_434, %mul3A_478 : i32
        %add3A_550 = arith.constant 0 : i32
        %add3A_551 = arith.addi %add3A_549, %add3A_550 : i32
        %get3A_552 = arith.index_cast %add3A_551 : i32 to index
        %get3A_553 = arith.constant 80 : index
        %get3A_554 = tpu.vector_load %arg11[%get3A_552, %get3A_553] {strides = array<i32>} : memref<256x128xf32, #tpu.memory_space<vmem>>, vector<1x16xf32>,
        %get3A_555 = vector.shape_cast %get3A_554 : vector<1x16xf32> to vector<16xf32>
        %swap3A_556 = arith.index_cast %add3A_548 : i32 to index
        %swap3A_557 = arith.constant 80 : index
        %swap3A_558 = tpu.vector_load %arg10[%swap3A_556, %swap3A_557] {strides = array<i32>} : memref<128x128xf32, #tpu.memory_space<vmem>>, vector<1x16xf32>,
        %swap3A_559 = vector.shape_cast %swap3A_558 : vector<1x16xf32> to vector<16xf32>
        %swap3A_560 = vector.shape_cast %get3A_555 : vector<16xf32> to vector<1x16xf32>
        tpu.vector_store %arg10[%swap3A_556, %swap3A_557], %swap3A_560 {add = true, strides = array<i32>} : memref<128x128xf32, #tpu.memory_space<vmem>>, vector<1x16xf32>,
        %add3A_561 = arith.constant 0 : i32
        %add3A_562 = arith.addi %mul3A_478, %add3A_561 : i32
        %add3A_563 = arith.addi %mul3A_434, %mul3A_478 : i32
        %add3A_564 = arith.constant 0 : i32
        %add3A_565 = arith.addi %add3A_563, %add3A_564 : i32
        %get3A_566 = arith.index_cast %add3A_565 : i32 to index
        %get3A_567 = arith.constant 96 : index
        %get3A_568 = tpu.vector_load %arg11[%get3A_566, %get3A_567] {strides = array<i32>} : memref<256x128xf32, #tpu.memory_space<vmem>>, vector<1x16xf32>,
        %get3A_569 = vector.shape_cast %get3A_568 : vector<1x16xf32> to vector<16xf32>
        %swap3A_570 = arith.index_cast %add3A_562 : i32 to index
        %swap3A_571 = arith.constant 96 : index
        %swap3A_572 = tpu.vector_load %arg10[%swap3A_570, %swap3A_571] {strides = array<i32>} : memref<128x128xf32, #tpu.memory_space<vmem>>, vector<1x16xf32>,
        %swap3A_573 = vector.shape_cast %swap3A_572 : vector<1x16xf32> to vector<16xf32>
        %swap3A_574 = vector.shape_cast %get3A_569 : vector<16xf32> to vector<1x16xf32>
        tpu.vector_store %arg10[%swap3A_570, %swap3A_571], %swap3A_574 {add = true, strides = array<i32>} : memref<128x128xf32, #tpu.memory_space<vmem>>, vector<1x16xf32>,
        %add3A_575 = arith.constant 0 : i32
        %add3A_576 = arith.addi %mul3A_478, %add3A_575 : i32
        %add3A_577 = arith.addi %mul3A_434, %mul3A_478 : i32
        %add3A_578 = arith.constant 0 : i32
        %add3A_579 = arith.addi %add3A_577, %add3A_578 : i32
        %get3A_580 = arith.index_cast %add3A_579 : i32 to index
        %get3A_581 = arith.constant 112 : index
        %get3A_582 = tpu.vector_load %arg11[%get3A_580, %get3A_581] {strides = array<i32>} : memref<256x128xf32, #tpu.memory_space<vmem>>, vector<1x16xf32>,
        %get3A_583 = vector.shape_cast %get3A_582 : vector<1x16xf32> to vector<16xf32>
        %swap3A_584 = arith.index_cast %add3A_576 : i32 to index
        %swap3A_585 = arith.constant 112 : index
        %swap3A_586 = tpu.vector_load %arg10[%swap3A_584, %swap3A_585] {strides = array<i32>} : memref<128x128xf32, #tpu.memory_space<vmem>>, vector<1x16xf32>,
        %swap3A_587 = vector.shape_cast %swap3A_586 : vector<1x16xf32> to vector<16xf32>
        %swap3A_588 = vector.shape_cast %get3A_583 : vector<16xf32> to vector<1x16xf32>
        tpu.vector_store %arg10[%swap3A_584, %swap3A_585], %swap3A_588 {add = true, strides = array<i32>} : memref<128x128xf32, #tpu.memory_space<vmem>>, vector<1x16xf32>,
        %add3A_589 = arith.constant 1 : i32
        %add3A_590 = arith.addi %mul3A_478, %add3A_589 : i32
        %add3A_591 = arith.addi %mul3A_434, %mul3A_478 : i32
        %add3A_592 = arith.constant 1 : i32
        %add3A_593 = arith.addi %add3A_591, %add3A_592 : i32
        %get3A_594 = arith.index_cast %add3A_593 : i32 to index
        %get3A_595 = arith.constant 0 : index
        %get3A_596 = tpu.vector_load %arg11[%get3A_594, %get3A_595] {strides = array<i32>} : memref<256x128xf32, #tpu.memory_space<vmem>>, vector<1x16xf32>,
        %get3A_597 = vector.shape_cast %get3A_596 : vector<1x16xf32> to vector<16xf32>
        %swap3A_598 = arith.index_cast %add3A_590 : i32 to index
        %swap3A_599 = arith.constant 0 : index
        %swap3A_600 = tpu.vector_load %arg10[%swap3A_598, %swap3A_599] {strides = array<i32>} : memref<128x128xf32, #tpu.memory_space<vmem>>, vector<1x16xf32>,
        %swap3A_601 = vector.shape_cast %swap3A_600 : vector<1x16xf32> to vector<16xf32>
        %swap3A_602 = vector.shape_cast %get3A_597 : vector<16xf32> to vector<1x16xf32>
        tpu.vector_store %arg10[%swap3A_598, %swap3A_599], %swap3A_602 {add = true, strides = array<i32>} : memref<128x128xf32, #tpu.memory_space<vmem>>, vector<1x16xf32>,
        %add3A_603 = arith.constant 1 : i32
        %add3A_604 = arith.addi %mul3A_478, %add3A_603 : i32
        %add3A_605 = arith.addi %mul3A_434, %mul3A_478 : i32
        %add3A_606 = arith.constant 1 : i32
        %add3A_607 = arith.addi %add3A_605, %add3A_606 : i32
        %get3A_608 = arith.index_cast %add3A_607 : i32 to index
        %get3A_609 = arith.constant 16 : index
        %get3A_610 = tpu.vector_load %arg11[%get3A_608, %get3A_609] {strides = array<i32>} : memref<256x128xf32, #tpu.memory_space<vmem>>, vector<1x16xf32>,
        %get3A_611 = vector.shape_cast %get3A_610 : vector<1x16xf32> to vector<16xf32>
        %swap3A_612 = arith.index_cast %add3A_604 : i32 to index
        %swap3A_613 = arith.constant 16 : index
        %swap3A_614 = tpu.vector_load %arg10[%swap3A_612, %swap3A_613] {strides = array<i32>} : memref<128x128xf32, #tpu.memory_space<vmem>>, vector<1x16xf32>,
        %swap3A_615 = vector.shape_cast %swap3A_614 : vector<1x16xf32> to vector<16xf32>
        %swap3A_616 = vector.shape_cast %get3A_611 : vector<16xf32> to vector<1x16xf32>
        tpu.vector_store %arg10[%swap3A_612, %swap3A_613], %swap3A_616 {add = true, strides = array<i32>} : memref<128x128xf32, #tpu.memory_space<vmem>>, vector<1x16xf32>,
        %add3A_617 = arith.constant 1 : i32
        %add3A_618 = arith.addi %mul3A_478, %add3A_617 : i32
        %add3A_619 = arith.addi %mul3A_434, %mul3A_478 : i32
        %add3A_620 = arith.constant 1 : i32
        %add3A_621 = arith.addi %add3A_619, %add3A_620 : i32
        %get3A_622 = arith.index_cast %add3A_621 : i32 to index
        %get3A_623 = arith.constant 32 : index
        %get3A_624 = tpu.vector_load %arg11[%get3A_622, %get3A_623] {strides = array<i32>} : memref<256x128xf32, #tpu.memory_space<vmem>>, vector<1x16xf32>,
        %get3A_625 = vector.shape_cast %get3A_624 : vector<1x16xf32> to vector<16xf32>
        %swap3A_626 = arith.index_cast %add3A_618 : i32 to index
        %swap3A_627 = arith.constant 32 : index
        %swap3A_628 = tpu.vector_load %arg10[%swap3A_626, %swap3A_627] {strides = array<i32>} : memref<128x128xf32, #tpu.memory_space<vmem>>, vector<1x16xf32>,
        %swap3A_629 = vector.shape_cast %swap3A_628 : vector<1x16xf32> to vector<16xf32>
        %swap3A_630 = vector.shape_cast %get3A_625 : vector<16xf32> to vector<1x16xf32>
        tpu.vector_store %arg10[%swap3A_626, %swap3A_627], %swap3A_630 {add = true, strides = array<i32>} : memref<128x128xf32, #tpu.memory_space<vmem>>, vector<1x16xf32>,
        %add3A_631 = arith.constant 1 : i32
        %add3A_632 = arith.addi %mul3A_478, %add3A_631 : i32
        %add3A_633 = arith.addi %mul3A_434, %mul3A_478 : i32
        %add3A_634 = arith.constant 1 : i32
        %add3A_635 = arith.addi %add3A_633, %add3A_634 : i32
        %get3A_636 = arith.index_cast %add3A_635 : i32 to index
        %get3A_637 = arith.constant 48 : index
        %get3A_638 = tpu.vector_load %arg11[%get3A_636, %get3A_637] {strides = array<i32>} : memref<256x128xf32, #tpu.memory_space<vmem>>, vector<1x16xf32>,
        %get3A_639 = vector.shape_cast %get3A_638 : vector<1x16xf32> to vector<16xf32>
        %swap3A_640 = arith.index_cast %add3A_632 : i32 to index
        %swap3A_641 = arith.constant 48 : index
        %swap3A_642 = tpu.vector_load %arg10[%swap3A_640, %swap3A_641] {strides = array<i32>} : memref<128x128xf32, #tpu.memory_space<vmem>>, vector<1x16xf32>,
        %swap3A_643 = vector.shape_cast %swap3A_642 : vector<1x16xf32> to vector<16xf32>
        %swap3A_644 = vector.shape_cast %get3A_639 : vector<16xf32> to vector<1x16xf32>
        tpu.vector_store %arg10[%swap3A_640, %swap3A_641], %swap3A_644 {add = true, strides = array<i32>} : memref<128x128xf32, #tpu.memory_space<vmem>>, vector<1x16xf32>,
        %add3A_645 = arith.constant 1 : i32
        %add3A_646 = arith.addi %mul3A_478, %add3A_645 : i32
        %add3A_647 = arith.addi %mul3A_434, %mul3A_478 : i32
        %add3A_648 = arith.constant 1 : i32
        %add3A_649 = arith.addi %add3A_647, %add3A_648 : i32
        %get3A_650 = arith.index_cast %add3A_649 : i32 to index
        %get3A_651 = arith.constant 64 : index
        %get3A_652 = tpu.vector_load %arg11[%get3A_650, %get3A_651] {strides = array<i32>} : memref<256x128xf32, #tpu.memory_space<vmem>>, vector<1x16xf32>,
        %get3A_653 = vector.shape_cast %get3A_652 : vector<1x16xf32> to vector<16xf32>
        %swap3A_654 = arith.index_cast %add3A_646 : i32 to index
        %swap3A_655 = arith.constant 64 : index
        %swap3A_656 = tpu.vector_load %arg10[%swap3A_654, %swap3A_655] {strides = array<i32>} : memref<128x128xf32, #tpu.memory_space<vmem>>, vector<1x16xf32>,
        %swap3A_657 = vector.shape_cast %swap3A_656 : vector<1x16xf32> to vector<16xf32>
        %swap3A_658 = vector.shape_cast %get3A_653 : vector<16xf32> to vector<1x16xf32>
        tpu.vector_store %arg10[%swap3A_654, %swap3A_655], %swap3A_658 {add = true, strides = array<i32>} : memref<128x128xf32, #tpu.memory_space<vmem>>, vector<1x16xf32>,
        %add3A_659 = arith.constant 1 : i32
        %add3A_660 = arith.addi %mul3A_478, %add3A_659 : i32
        %add3A_661 = arith.addi %mul3A_434, %mul3A_478 : i32
        %add3A_662 = arith.constant 1 : i32
        %add3A_663 = arith.addi %add3A_661, %add3A_662 : i32
        %get3A_664 = arith.index_cast %add3A_663 : i32 to index
        %get3A_665 = arith.constant 80 : index
        %get3A_666 = tpu.vector_load %arg11[%get3A_664, %get3A_665] {strides = array<i32>} : memref<256x128xf32, #tpu.memory_space<vmem>>, vector<1x16xf32>,
        %get3A_667 = vector.shape_cast %get3A_666 : vector<1x16xf32> to vector<16xf32>
        %swap3A_668 = arith.index_cast %add3A_660 : i32 to index
        %swap3A_669 = arith.constant 80 : index
        %swap3A_670 = tpu.vector_load %arg10[%swap3A_668, %swap3A_669] {strides = array<i32>} : memref<128x128xf32, #tpu.memory_space<vmem>>, vector<1x16xf32>,
        %swap3A_671 = vector.shape_cast %swap3A_670 : vector<1x16xf32> to vector<16xf32>
        %swap3A_672 = vector.shape_cast %get3A_667 : vector<16xf32> to vector<1x16xf32>
        tpu.vector_store %arg10[%swap3A_668, %swap3A_669], %swap3A_672 {add = true, strides = array<i32>} : memref<128x128xf32, #tpu.memory_space<vmem>>, vector<1x16xf32>,
        %add3A_673 = arith.constant 1 : i32
        %add3A_674 = arith.addi %mul3A_478, %add3A_673 : i32
        %add3A_675 = arith.addi %mul3A_434, %mul3A_478 : i32
        %add3A_676 = arith.constant 1 : i32
        %add3A_677 = arith.addi %add3A_675, %add3A_676 : i32
        %get3A_678 = arith.index_cast %add3A_677 : i32 to index
        %get3A_679 = arith.constant 96 : index
        %get3A_680 = tpu.vector_load %arg11[%get3A_678, %get3A_679] {strides = array<i32>} : memref<256x128xf32, #tpu.memory_space<vmem>>, vector<1x16xf32>,
        %get3A_681 = vector.shape_cast %get3A_680 : vector<1x16xf32> to vector<16xf32>
        %swap3A_682 = arith.index_cast %add3A_674 : i32 to index
        %swap3A_683 = arith.constant 96 : index
        %swap3A_684 = tpu.vector_load %arg10[%swap3A_682, %swap3A_683] {strides = array<i32>} : memref<128x128xf32, #tpu.memory_space<vmem>>, vector<1x16xf32>,
        %swap3A_685 = vector.shape_cast %swap3A_684 : vector<1x16xf32> to vector<16xf32>
        %swap3A_686 = vector.shape_cast %get3A_681 : vector<16xf32> to vector<1x16xf32>
        tpu.vector_store %arg10[%swap3A_682, %swap3A_683], %swap3A_686 {add = true, strides = array<i32>} : memref<128x128xf32, #tpu.memory_space<vmem>>, vector<1x16xf32>,
        %add3A_687 = arith.constant 1 : i32
        %add3A_688 = arith.addi %mul3A_478, %add3A_687 : i32
        %add3A_689 = arith.addi %mul3A_434, %mul3A_478 : i32
        %add3A_690 = arith.constant 1 : i32
        %add3A_691 = arith.addi %add3A_689, %add3A_690 : i32
        %get3A_692 = arith.index_cast %add3A_691 : i32 to index
        %get3A_693 = arith.constant 112 : index
        %get3A_694 = tpu.vector_load %arg11[%get3A_692, %get3A_693] {strides = array<i32>} : memref<256x128xf32, #tpu.memory_space<vmem>>, vector<1x16xf32>,
        %get3A_695 = vector.shape_cast %get3A_694 : vector<1x16xf32> to vector<16xf32>
        %swap3A_696 = arith.index_cast %add3A_688 : i32 to index
        %swap3A_697 = arith.constant 112 : index
        %swap3A_698 = tpu.vector_load %arg10[%swap3A_696, %swap3A_697] {strides = array<i32>} : memref<128x128xf32, #tpu.memory_space<vmem>>, vector<1x16xf32>,
        %swap3A_699 = vector.shape_cast %swap3A_698 : vector<1x16xf32> to vector<16xf32>
        %swap3A_700 = vector.shape_cast %get3A_695 : vector<16xf32> to vector<1x16xf32>
        tpu.vector_store %arg10[%swap3A_696, %swap3A_697], %swap3A_700 {add = true, strides = array<i32>} : memref<128x128xf32, #tpu.memory_space<vmem>>, vector<1x16xf32>,
      }
      %scan3A_440 = arith.constant 64 : i32
      %jit3A_441 = arith.constant 2 : i32
      %div3A_442 = arith.divsi %add3A_378, %jit3A_441 : i32
      %sign3A_443 = arith.constant 0 : i32
      %sign3A_444 = arith.cmpi sgt, %add3A_378, %sign3A_443 : i32
      %sign3A_445 = arith.extui %sign3A_444 : i1 to i32
      %sign3A_446 = arith.constant 0 : i32
      %sign3A_447 = arith.cmpi slt, %add3A_378, %sign3A_446 : i32
      %sign3A_448 = arith.extui %sign3A_447 : i1 to i32
      %sign3A_449 = arith.subi %sign3A_445, %sign3A_448 : i32
      %sign3A_450 = arith.constant 0 : i32
      %sign3A_451 = arith.cmpi sgt, %jit3A_441, %sign3A_450 : i32
      %sign3A_452 = arith.extui %sign3A_451 : i1 to i32
      %sign3A_453 = arith.constant 0 : i32
      %sign3A_454 = arith.cmpi slt, %jit3A_441, %sign3A_453 : i32
      %sign3A_455 = arith.extui %sign3A_454 : i1 to i32
      %sign3A_456 = arith.subi %sign3A_452, %sign3A_455 : i32
      %ne3A_457 = arith.cmpi ne, %sign3A_449, %sign3A_456 : i32
      %rem3A_458 = arith.remsi %add3A_378, %jit3A_441 : i32
      %ne3A_459 = arith.constant 0 : i32
      %ne3A_460 = arith.cmpi ne, %rem3A_458, %ne3A_459 : i32
      %and3A_461 = arith.andi %ne3A_457, %ne3A_460 : i1
      %sub3A_462 = arith.constant 1 : i32
      %sub3A_463 = arith.subi %div3A_442, %sub3A_462 : i32
      %select_n3A_464 = arith.select %and3A_461, %sub3A_463, %div3A_442 : i32
      %rem3A_465 = arith.constant 2 : i32
      %rem3A_466 = arith.remsi %add3A_378, %rem3A_465 : i32
      %mul3A_467 = arith.constant 128 : i32
      %mul3A_468 = arith.muli %rem3A_466, %mul3A_467 : i32
      %add3A_469 = arith.addi %mul3A_2, %mul3A_468 : i32
      %dma_start3A_470 = arith.constant 0 : i32
      %dma_start3A_471 = tpu.memref_slice %arg5[%select_n3A_464, %add3A_469, %dma_start3A_470] : memref<4x8192x128xf32, #tpu.memory_space<hbm>> -> memref<1x128x128xf32, #tpu.memory_space<hbm>>
      %dma_start3A_472 = tpu.memref_squeeze %dma_start3A_471 : memref<1x128x128xf32, #tpu.memory_space<hbm>> -> memref<128x128xf32, #tpu.memory_space<hbm>>
      %dma_start3A_473 = arith.constant 0 : i32
      %dma_start3A_474 = tpu.memref_slice %arg5[%select_n3A_464, %add3A_469, %dma_start3A_473] : memref<4x8192x128xf32, #tpu.memory_space<hbm>> -> memref<1x128x128xf32, #tpu.memory_space<hbm>>
      %dma_start3A_475 = tpu.memref_squeeze %dma_start3A_474 : memref<1x128x128xf32, #tpu.memory_space<hbm>> -> memref<128x128xf32, #tpu.memory_space<hbm>>
      tpu.enqueue_dma source(%arg10 : memref<128x128xf32, #tpu.memory_space<vmem>>) target(%dma_start3A_475 : memref<128x128xf32, #tpu.memory_space<hbm>>) target_semaphore(%arg13 : memref<!tpu.dma_semaphore, #tpu.memory_space<semaphore_mem>>)
    }
    %scan3A_96 = arith.constant 2 : i32
    %rem3A = arith.constant 7 : i32
    %rem3A_97 = arith.constant 2 : i32
    %rem3A_98 = arith.remsi %rem3A, %rem3A_97 : i32
    %mul3A_99 = arith.constant 128 : i32
    %mul3A_100 = arith.muli %rem3A_98, %mul3A_99 : i32
    %add3A_101 = arith.addi %mul3A_2, %mul3A_100 : i32
    %dma_wait3A_102 = arith.constant 3 : i32
    %dma_wait3A_103 = arith.constant 0 : i32
    %dma_wait3A_104 = tpu.memref_slice %arg5[%dma_wait3A_102, %add3A_101, %dma_wait3A_103] : memref<4x8192x128xf32, #tpu.memory_space<hbm>> -> memref<1x128x128xf32, #tpu.memory_space<hbm>>
    %dma_wait3A_105 = tpu.memref_squeeze %dma_wait3A_104 : memref<1x128x128xf32, #tpu.memory_space<hbm>> -> memref<128x128xf32, #tpu.memory_space<hbm>>
    %dma_wait3A_106 = arith.constant 0 : i32
    %dma_wait3A_107 = tpu.memref_slice %arg5[%dma_wait3A_102, %add3A_101, %dma_wait3A_106] : memref<4x8192x128xf32, #tpu.memory_space<hbm>> -> memref<1x128x128xf32, #tpu.memory_space<hbm>>
    %dma_wait3A_108 = tpu.memref_squeeze %dma_wait3A_107 : memref<1x128x128xf32, #tpu.memory_space<hbm>> -> memref<128x128xf32, #tpu.memory_space<hbm>>
    tpu.wait_dma2 semaphore(%arg13 : memref<!tpu.dma_semaphore, #tpu.memory_space<semaphore_mem>>) src(%arg10 : memref<128x128xf32, #tpu.memory_space<vmem>>) dst(%dma_wait3A_108 : memref<128x128xf32, #tpu.memory_space<hbm>>)
    return
  }
}

</mosaic_0001>

<sc_bundles>
// kernel: kernel.3.cloned.1.call-start
scs
__scs_entry_jumppad:
0x0: {  	(pc) =	sbr.rel $0x88, $3  }
0x1: {  	(tag) =	ssettag $0x0;
	lr =	simm.s32 $0x1  }
0x2: {  	[smem:$0x3F9E] =	sst lr;
	_ =	strace $0xD0000000  }
0x3: {  	_ = 	snop  }
0x4: {  	_ = 	snop  }
0x5: {  	_ = 	snop  }
0x6: {  	_ = 	snop  }
0x7: {  	_ = 	snop  }
__scs_overlays_trampoline_lowered:
0x8: {  	[smem:$0x3FAD] =	sst s0  }
0x9: {  	[smem:$0x3FAE] =	sst s1  }
0xa: {  	[smem:$0x3FAF] =	sst s2  }
0xb: {  	[smem:$0x3FB0] =	sst s3  }
0xc: {  	[smem:$0x3FB1] =	sst s4  }
0xd: {  	[smem:$0x3FB2] =	sst s5  }
0xe: {  	[smem:$0x3FB3] =	sst s6  }
0xf: {  	[smem:$0x3FB4] =	sst s7  }
0x10: {  	[smem:$0x3FB5] =	sst s8  }
0x11: {  	[smem:$0x3FB6] =	sst s9;
	s0 =	simm.s32 @!p0 $0x0  }
0x12: {  	s1 =	sld [smem:$0x3F9C];
	s0 =	simm.s32 @p0 $0x1  }
0x13: {  	[smem:$0x3FB7] =	sst s0;
	s0 =	simm.s32 @!p1 $0x0  }
0x14: {  	s2 =	sld [smem:$0x3F9B];
	s0 =	simm.s32 @p1 $0x1  }
0x15: {  	[smem:$0x3FB8] =	sst s0;
	s0 =	simm.s32 @!p2 $0x0  }
0x16: {  	s3 =	sld [smem:$0x3FDB];
	s0 =	simm.s32 @p2 $0x1  }
0x17: {  	s4 =	simm.s32 $0x1BF5;
	[smem:$0x3FBA] =	sst s0  }
0x18: {  	s0 =	sld [smem:$0x3F9D];
	_ =	swait.ge [sflag:s4], $0x0  }
0x19: {  	s7 =	sld [smem:$0x3F9E]  }
0x1a: {  	s8 =	sadd.s32 $0xFFFFE003, lr  }
0x1b: {  	s9 =	sadd.s32 $0xFFFFFEF7, lr;
	s5 =	simm.s32 $0xFFFFFFFF;
	p2 =	slt.u32 s8, $0xFFFFF086  }
0x1c: {  	p1 =	slt.u32 s9, $0xF7A;
	s5 =	simm.s32 @!p2 $0x0  }
0x1d: {  	s5 =	simm.s32 @p1 $0x1;
	p0 =	seq.s32 s7, s2  }
0x1e: {  	s7 =	smul.u32 @!p0 $0xF7A, s2;
	p2 =	seq.s32 @!p0 s5, $0x0  }
0x1f: {  	s9 =	smul.u32 $0xF7A, s1;
	s8 =	simm.s32 @!p0 $0x1BF5;
	p2 =	por !p2, p0  }
0x20: {  	[sflag:s8] =	ssyncset.s32 @!p0 $0xFFFFF086;
	s6 =	sadd.s32 @!p0 s3, s7;
	s7 =	simm.s32 @!p0 $0x108  }
0x21: {  	s3 =	sadd.s32 s3, s9;
	s6 =	sadd.s32 @!p0 $0x88, s6;
	s7 =	simm.s32 @p2 $0x1082  }
0x22: {  	[simem:s7], [sflag:s8] =	dma.local @!p0 [hbm:s6], $0xF7A  }
0x23: {  	s9 =	sor.u32 $0xD0000000, s2;
	s6 =	simm.s32 $0x108;
	_ =	swait.ge @!p0 [sflag:s8], $0x0  }
0x24: {  	s3 =	sadd.s32 $0x88, s3;
	s6 =	simm.s32 @!p1 $0x1082;
	[sflag:s4] =	ssyncset.s32 $0xFFFFF086  }
0x25: {  	[simem:s6], [sflag:s4] =	dma.local [hbm:s3], $0xF7A  }
0x26: {  	[smem:$0x3F9E] =	sst s1;
	(tag) =	ssettag s2;
	_ =	strace s9  }
0x27: {  	s1 =	sld [smem:$0x3FAE]  }
0x28: {  	s2 =	sld [smem:$0x3FAF]  }
0x29: {  	s4 =	sld [smem:$0x3FB1]  }
0x2a: {  	p0 =	seq.s32 s5, $0x0;
	s5 =	sld [smem:$0x3FB2]  }
0x2b: {  	s6 =	sld [smem:$0x3FB3]  }
0x2c: {  	s7 =	sld [smem:$0x3FB4]  }
0x2d: {  	s3 =	simm.s32 $0x108;
	s8 =	sld [smem:$0x3FB5]  }
0x2e: {  	s3 =	simm.s32 @!p0 $0x1082;
	s9 =	sld [smem:$0x3FB6]  }
0x2f: {  	lr =	sadd.s32 s0, s3;
	s0 =	sld [smem:$0x3FAD]  }
0x30: {  	s3 =	sld [smem:$0x3FB0]  }
0x31: {  	[smem:$0x3FB9] =	sst s10  }
0x32: {  	s10 =	sld [smem:$0x3FB7];
	_ =	sdelay $0x3  }
0x33: {  	p0 =	seq.s32 s10, $0x1;
	s10 =	sld [smem:$0x3FB9];
	_ =	sdelay $0x3  }
0x34: {  	[smem:$0x3FB9] =	sst s10  }
0x35: {  	s10 =	sld [smem:$0x3FB8];
	_ =	sdelay $0x3  }
0x36: {  	p1 =	seq.s32 s10, $0x1;
	s10 =	sld [smem:$0x3FB9];
	_ =	sdelay $0x3  }
0x37: {  	[smem:$0x3FB9] =	sst s10  }
0x38: {  	s10 =	sld [smem:$0x3FBA]  }
0x39: {  	_ = 	snop;
	(pc) =	sbr.ind lr, $3  }
0x3a: {  	_ = 	snop  }
0x3b: {  	_ = 	snop  }
0x3c: {  	p2 =	seq.s32 s10, $0x1;
	s10 =	sld [smem:$0x3FB9]  }
0x3d: {  	_ =	shalt  }
0x3e: {  	_ =	shalt  }
0x3f: {  	_ =	shalt  }
0x40: {  	_ =	shalt  }
0x41: {  	_ =	shalt  }
0x42: {  	_ =	shalt  }
0x43: {  	_ =	shalt  }
0x44: {  	_ =	shalt  }
0x45: {  	_ =	shalt  }
0x46: {  	_ =	shalt  }
0x47: {  	_ =	shalt  }
0x48: {  	_ =	shalt  }
0x49: {  	_ =	shalt  }
0x4a: {  	_ =	shalt  }
0x4b: {  	_ =	shalt  }
0x4c: {  	_ =	shalt  }
0x4d: {  	_ =	shalt  }
0x4e: {  	_ =	shalt  }
0x4f: {  	_ =	shalt  }
0x50: {  	_ =	shalt  }
0x51: {  	_ =	shalt  }
0x52: {  	_ =	shalt  }
0x53: {  	_ =	shalt  }
0x54: {  	_ =	shalt  }
0x55: {  	_ =	shalt  }
0x56: {  	_ =	shalt  }
0x57: {  	_ =	shalt  }
0x58: {  	_ =	shalt  }
0x59: {  	_ =	shalt  }
0x5a: {  	_ =	shalt  }
0x5b: {  	_ =	shalt  }
0x5c: {  	_ =	shalt  }
0x5d: {  	_ =	shalt  }
0x5e: {  	_ =	shalt  }
0x5f: {  	_ =	shalt  }
0x60: {  	_ =	shalt  }
0x61: {  	_ =	shalt  }
0x62: {  	_ =	shalt  }
0x63: {  	_ =	shalt  }
0x64: {  	_ =	shalt  }
0x65: {  	_ =	shalt  }
0x66: {  	_ =	shalt  }
0x67: {  	_ =	shalt  }
0x68: {  	_ =	shalt  }
0x69: {  	_ =	shalt  }
0x6a: {  	_ =	shalt  }
0x6b: {  	_ =	shalt  }
0x6c: {  	_ =	shalt  }
0x6d: {  	_ =	shalt  }
0x6e: {  	_ =	shalt  }
0x6f: {  	_ =	shalt  }
0x70: {  	_ =	shalt  }
0x71: {  	_ =	shalt  }
0x72: {  	_ =	shalt  }
0x73: {  	_ =	shalt  }
0x74: {  	_ =	shalt  }
0x75: {  	_ =	shalt  }
0x76: {  	_ =	shalt  }
0x77: {  	_ =	shalt  }
0x78: {  	_ =	shalt  }
0x79: {  	_ =	shalt  }
0x7a: {  	_ =	shalt  }
0x7b: {  	_ =	shalt  }
0x7c: {  	_ =	shalt  }
0x7d: {  	_ =	shalt  }
0x7e: {  	_ =	shalt  }
0x7f: {  	_ =	shalt  }
0x80: {  	_ =	shalt  }
0x81: {  	_ =	shalt  }
0x82: {  	_ =	shalt  }
0x83: {  	_ =	shalt  }
0x84: {  	_ =	shalt  }
0x85: {  	_ =	shalt  }
0x86: {  	_ =	shalt  }
0x87: {  	_ =	shalt  }
.Lfunc_end0:
.L_simem_size_0:
called_computation_lowered:
.L_overlay_start_0:
0x88: {  	s2 =	sld [smem:$0x3FD9]  }
0x89: {  	s3 =	sld [smem:$0x3FFE];
	_ =	sdelay $0x1  }
0x8a: {  	s1 =	srdreg.scid  }
0x8b: {  	s0 =	sand.u32 $0x1, s1  }
0x8c: {  	s18 =	sshll.u32 s0, $0xA;
	s2 =	sadd.s32 s3, s2  }
0x8d: {  	s2 =	sadd.s32 s2, s18  }
0x8e: {  	[smem:$0x3FC5] =	sst s2  }
0x8f: {  	_ = 	snop  }
0x90: {  	s2 =	sld [smem:$0x3FC9]  }
0x91: {  	s19 =	sld [smem:$0x3FC8]  }
0x92: {  	s4 =	sld [smem:$0x3FC7]  }
0x93: {  	s5 =	sld [smem:$0x3FD0];
	(tm) =	ssettm $0x1  }
0x94: {  	s6 =	sld [smem:$0x3FFB];
	_ =	sdelay $0x3  }
0x95: {  	_ =	strace s6  }
0x96: {  	s6 =	sld [smem:$0x3FFC];
	_ =	sdelay $0x3  }
0x97: {  	_ =	strace s6  }
0x98: {  	s6 =	sld [smem:$0x3FFD];
	_ =	sdelay $0x3  }
0x99: {  	_ =	strace s6  }
0x9a: {  	_ =	strace $0x8FFFFFFF  }
0x9b: {  	s20 =	sld [smem:$0x3FDB];
	_ =	sdelay $0x1  }
0x9c: {  	s7 =	simm.s32 $_scs_section_size  }
0x9d: {  	s8 =	simm.s32 $_size__tile_overlayer_lowered;
	s9 =	simm.s32 $_tile_overlayer_lowered  }
0x9e: {  	s23 =	simm.s32 $0x1BFF;
	s22 =	sshll.u32 s9, $0x1;
	s6 =	sadd.s32 s7, s20  }
0x9f: {  	s10 =	simm.s32 $0x0;
	s21 =	sshll.u32 s8, $0x1;
	s8 =	sadd.s32 s22, s6  }
0xa0: {  	[timem:s10], [sflag:s23] =	dma.local [hbm:s8], s21  }
0xa1: {  	_ =	swait.ge [sflag:s23], s21  }
0xa2: {  	s7 =	ssub.s32 $0x0, s21;
	[sflag:s23] =	ssyncset.done $0x0  }
0xa3: {  	[sflag:s23] =	ssyncadd.s32 s7;
	_ =	sdelay $0x1  }
0xa4: {  	s24 =	simm.s32 $0x1B8B  }
0xa5: {  	_ =	swait.ge [sflag:s24], $0x1  }
0xa6: {  	[sflag:s24] =	ssyncset.done $0x0  }
0xa7: {  	s25 =	simm.s32 $0x1B8E;
	[sflag:s24] =	ssyncadd.s32 $0xFFFFFFFF  }
0xa8: {  	s26 =	simm.s32 $execute0_lowered;
	[smem:$0x3FD2] =	sst s25  }
0xa9: {  	s7 =	sshll.u32 s26, $0x1;
	_ =	strace $0x80000046;
	[dreg:$0x1] =	wrdreg $0xFFFFFFFF  }
0xaa: {  	s28 =	simm.s32 $_size_execute0_lowered;
	s6 =	sadd.s32 s6, s7;
	[dreg:$0x0] =	wrdreg $0x0  }
0xab: {  	s7 =	sshll.u32 s28, $0x1;
	[dreg:$0x2] =	wrdreg s6  }
0xac: {  	[dreg:$0x3] =	wrdreg s7  }
0xad: {  	[dreg:$0x4] =	wrdreg $0xC0  }
0xae: {  	_ =	task [dreg:s10], $0x5FFFF  }
0xaf: {  	[dreg:$0x1] =	wrdreg $0xFFFFFFFF  }
0xb0: {  	[dreg:$0x0] =	wrdreg $0x60  }
0xb1: {  	[dreg:$0x2] =	wrdreg s2  }
0xb2: {  	[dreg:$0x3] =	wrdreg s19  }
0xb3: {  	[dreg:$0x4] =	wrdreg s4  }
0xb4: {  	[dreg:$0x5] =	wrdreg s5  }
0xb5: {  	[dreg:$0x6] =	wrdreg $0x9  }
0xb6: {  	_ =	task.clear_ibuf [dreg:s10], $0x7FFFF;
	_ =	strace $0x90000046  }
0xb7: {  	s29 =	simm.s32 $0x9;
	_ =	strace $0x80000048  }
0xb8: {  	_ =	swait.ge [sflag:s29], $0x1  }
0xb9: {  	[sflag:s29] =	ssyncadd.s32 $0xFFFFFFFF  }
0xba: {  	_ =	strace $0x90000048  }
0xbb: {  	_ =	sfence  }
0xbc: {  	s30 =	sld [smem:$0x0];
	_ =	sdelay $0x2  }
0xbd: {  	s31 =	sshll.u32 s1, $0xD;
	s1 =	sshrl.u32 s1, $0x2  }
0xbe: {  	s3 =	sand.u32 $0x4000, s31;
	s1 =	sadd.s32 s1, s30  }
0xbf: {  	s0 =	sor.u32 s3, s0;
	s1 =	sshll.u32 s1, $0x11  }
0xc0: {  	s0 =	sor.u32 s1, s0  }
0xc1: {  	s0 =	sadd.s32 $0x8F2B, s0  }
0xc2: {  	[sflag:s0] =	ssyncadd.remote.s32 $0x1  }
0xc3: {  	_ =	sfence.sel $0xFFFF  }
0xc4: {  	[dreg:$0x0] =	wrdreg $0xFFFFFFFF;
	(pc) =	sbr.abs _section_cstart, $3  }
0xc5: {  	[dreg:$0x1] =	wrdreg $0xFFFFFFFF  }
0xc6: {  	_ =	task.clear_ibuf [dreg:s10], $0x2FFFF;
	_ =	strace $0x9FFFFFFF  }
0xc7: {  	(tm) =	ssettm $0x7FFFFFFF  }
tec
execute0_lowered:
.L_overlay_start_1:
0x0: {  	(tag) =	ssettag $0x1  }
0x1: {  	s0 =	rddreg [dreg:$0x0]  }
0x2: {  	s1 =	rddreg [dreg:$0x1]  }
0x3: {  	s10 =	rddreg [dreg:$0x2]  }
0x4: {  	s3 =	rddreg [dreg:$0x3]  }
0x5: {  	s4 =	srdreg.scid;
	s2 =	stileid.u32;
	s14 =	simm.s32 $0x80  }
0x6: {  	s15 =	simm.s32 $0x200;
	s16 =	simm.s32 $0x100;
	s17 =	simm.s32 $0x300  }
0x7: {  	s18 =	simm.s32 $0x3;
	s19 =	simm.s32 $0x400;
	s20 =	simm.s32 $0x4400  }
0x8: {  	s21 =	simm.s32 $0x8400;
	s22 =	simm.s32 $0x10400;
	s23 =	simm.s32 $0xC400  }
0x9: {  	s24 =	simm.s32 $0x1;
	s25 =	simm.s32 $0x2;
	s26 =	simm.s32 $0x0  }
0xa: {  	s5 =	sand.u32 $0x1, s4;
	s4 =	simm.s32 $0x0;
	s6 =	sshll.u32 s2, $0x9  }
0xb: {  	s12 =	sadd.s32 $0x20000, s3;
	s7 =	sshll.u32 s5, $0x8;
	[smem:$0x7FF] =	sst s4  }
0xc: {  	s5 =	ssub.s32 $0x2, s5;
	s6 =	sor.u32 s7, s6;
	_ =	strace $0x80000047  }
0xd: {  	s30 =	sshrl.u32 s5, $0x1;
	s8 =	sshrl.u32 s6, $0x1;
	s6 =	sshll.u32 s6, $0x4  }
0xe: {  	s13 =	ssub.s32 s5, s30;
	s5 =	sadd.s32 s0, s8;
	s31 =	sadd.s32 s6, s3  }
0xf: {  	s10 =	sadd.s32 s10, s6;
	s13 =	smax.u32 s13, $0x1;
	s7 =	sadd.s32 $0x10, s5  }
0x10: {  	s8 =	sadd.s32 $0x20, s5;
	s9 =	sadd.s32 $0x30, s5;
	s11 =	sadd.s32 $0x800, s31  }
.LBB2_1:
0x11: {  	[tilespmem:s4], [sflag:$0x3] =	stream.strided.gather [hbm4b:s5+s14], $0x100, s15, s14, $0x38;
	[tilespmem:$0x18400] =	vst v63  }
0x12: {  	_ = 	snop  }
0x13: {  	[tilespmem:s16], [sflag:$0x3] =	stream.strided.gather [hbm4b:s7+s14], $0x100, s15, s14, $0x38;
	[tilespmem:$0x18400] =	vst v63  }
0x14: {  	_ = 	snop  }
0x15: {  	[tilespmem:s15], [sflag:$0x3] =	stream.strided.gather [hbm4b:s8+s14], $0x100, s15, s14, $0x38;
	[tilespmem:$0x18400] =	vst v63  }
0x16: {  	_ = 	snop  }
0x17: {  	[tilespmem:s17], [sflag:$0x3] =	stream.strided.gather [hbm4b:s9+s14], $0x100, s15, s14, $0x38;
	[tilespmem:$0x18400] =	vst v63  }
0x18: {  	_ =	swait.ge [sflag:s18], $0x100  }
0x19: {  	[sflag:s18] =	ssyncset.done $0x0  }
0x1a: {  	[sflag:s18] =	ssyncadd.s32 $0xFFFFFF00  }
0x1b: {  	_ =	swait.ge [sflag:s18], $0x100  }
0x1c: {  	[sflag:s18] =	ssyncset.done $0x0  }
0x1d: {  	[sflag:s18] =	ssyncadd.s32 $0xFFFFFF00  }
0x1e: {  	_ =	swait.ge [sflag:s18], $0x100  }
0x1f: {  	[sflag:s18] =	ssyncset.done $0x0  }
0x20: {  	[sflag:s18] =	ssyncadd.s32 $0xFFFFFF00  }
0x21: {  	_ =	swait.ge [sflag:s18], $0x100  }
0x22: {  	[sflag:s18] =	ssyncset.done $0x0  }
0x23: {  	[sflag:s18] =	ssyncadd.s32 $0xFFFFFF00  }
0x24: {  	[tilespmem:s19], [sflag:$0x1] =	stream.indirect.gather [hbm4b:s1+s14], $0x80, s4, s14, $0xb8;
	[tilespmem:$0x18400] =	vst v63  }
0x25: {  	_ = 	snop  }
0x26: {  	[tilespmem:s20], [sflag:$0x1] =	stream.indirect.gather [hbm4b:s1+s14], $0x80, s14, s14, $0xb8;
	[tilespmem:$0x18400] =	vst v63  }
0x27: {  	_ = 	snop  }
0x28: {  	[tilespmem:s21], [sflag:$0x1] =	stream.indirect.gather [hbm4b:s1+s14], $0x80, s16, s14, $0xb8;
	[tilespmem:$0x18400] =	vst v63  }
0x29: {  	p1 =	por $0x1, $0x1;
	p2 =	por $0x0, $0x0;
	s29 =	simm.s32 $0x0  }
0x2a: {  	[tilespmem:s22], [sflag:$0x3] =	stream.linear.gather [hbm4b:s10+s4], $0x8000, $0x38;
	[tilespmem:$0x18400] =	vst v63  }
.LBB2_2:
0x2b: {  	s0 =	sshll.u32 s29, $0x2;
	s30 =	simm.s32 @p2 $0x2  }
0x2c: {  	_ =	swait.ge @p2 [sflag:s30], $0x4000;
	s28 =	sor.u32 $0x3, s0  }
0x2d: {  	[sflag:s30] =	ssyncset.done @p2 $0x0;
	s0 =	sshll.u32 s28, $0x7  }
0x2e: {  	[sflag:s30] =	ssyncadd.s32 @p2 $0xFFFFC000;
	s0 =	sand.u32 $0x3FFFFF80, s0  }
0x2f: {  	[tilespmem:s23], [sflag:$0x1] =	stream.indirect.gather [hbm4b:s1+s14], $0x80, s0, s14, $0xb8;
	[tilespmem:$0x18400] =	vst v63  }
0x30: {  	_ =	swait.ge [sflag:s24], $0x4000  }
0x31: {  	[sflag:s24] =	ssyncset.done $0x0  }
0x32: {  	s0 =	simm.s32 @p1 $0x3;
	[sflag:s24] =	ssyncadd.s32 $0xFFFFC000  }
0x33: {  	_ =	swait.ge @p1 [sflag:s0], $0x8000  }
0x34: {  	p0 =	por p1, p1;
	[sflag:s0] =	ssyncset.done @p1 $0x0  }
0x35: {  	s31 =	simm.s32 $0x0;
	s30 =	simm.s32 $0x400;
	[sflag:s0] =	ssyncadd.s32 @p1 $0xFFFF8000  }
.LBB2_3:
0x36: {  	p1 =	sne.s32 s30, $0xFC00;
	v0 =	vld [tilespmem:s31+$0x104F0]  }
0x37: {  	v1 =	vld [tilespmem:s31+$0x10400]  }
0x38: {  	v2 =	vld [tilespmem:s31+$0x10410]  }
0x39: {  	v3 =	vld [tilespmem:s31+$0x10420]  }
0x3a: {  	v4 =	vld [tilespmem:s31+$0x10430]  }
0x3b: {  	[tilespmem:s31+$0x4F0] =	vst.add.f32.msk $0xffff, v0  }
0x3c: {  	v0 =	vld [tilespmem:s31+$0x10440]  }
0x3d: {  	v5 =	vld [tilespmem:s31+$0x10450]  }
0x3e: {  	v6 =	vld [tilespmem:s31+$0x10460]  }
0x3f: {  	v7 =	vld [tilespmem:s31+$0x10470]  }
0x40: {  	v8 =	vld [tilespmem:s31+$0x10480]  }
0x41: {  	v9 =	vld [tilespmem:s31+$0x10490]  }
0x42: {  	v10 =	vld [tilespmem:s31+$0x104A0]  }
0x43: {  	v11 =	vld [tilespmem:s31+$0x104B0]  }
0x44: {  	v12 =	vld [tilespmem:s31+$0x104C0]  }
0x45: {  	v13 =	vld [tilespmem:s31+$0x104D0]  }
0x46: {  	v14 =	vld [tilespmem:s31+$0x104E0]  }
0x47: {  	[tilespmem:s31+$0x400] =	vst.add.f32.msk $0xffff, v1  }
0x48: {  	[tilespmem:s31+$0x410] =	vst.add.f32.msk $0xffff, v2  }
0x49: {  	[tilespmem:s31+$0x420] =	vst.add.f32.msk $0xffff, v3  }
0x4a: {  	[tilespmem:s31+$0x430] =	vst.add.f32.msk $0xffff, v4  }
0x4b: {  	[tilespmem:s31+$0x440] =	vst.add.f32.msk $0xffff, v0  }
0x4c: {  	[tilespmem:s31+$0x450] =	vst.add.f32.msk $0xffff, v5  }
0x4d: {  	[tilespmem:s31+$0x460] =	vst.add.f32.msk $0xffff, v6  }
0x4e: {  	[tilespmem:s31+$0x470] =	vst.add.f32.msk $0xffff, v7  }
0x4f: {  	[tilespmem:s31+$0x480] =	vst.add.f32.msk $0xffff, v8  }
0x50: {  	[tilespmem:s31+$0x490] =	vst.add.f32.msk $0xffff, v9  }
.Ltmp0:
0x51: {  	[tilespmem:s31+$0x4A0] =	vst.add.f32.msk $0xffff, v10;
	(pc) =	sbr.rel @p1 .LBB2_3-.Ltmp0, $4  }
0x52: {  	[tilespmem:s31+$0x4B0] =	vst.add.f32.msk $0xffff, v11  }
0x53: {  	[tilespmem:s31+$0x4C0] =	vst.add.f32.msk $0xffff, v12  }
0x54: {  	[tilespmem:s31+$0x4D0] =	vst.add.f32.msk $0xffff, v13  }
0x55: {  	[tilespmem:s31+$0x4E0] =	vst.add.f32.msk $0xffff, v14;
	s31 =	sshra.s32 s30, $0x2;
	s30 =	sadd.s32 $0x400, s30  }
0x56: {  	v0 =	vld [tilespmem:s31+$0x104F0]  }
0x57: {  	v1 =	vld [tilespmem:s31+$0x10400]  }
0x58: {  	v2 =	vld [tilespmem:s31+$0x10410]  }
0x59: {  	v3 =	vld [tilespmem:s31+$0x10420]  }
0x5a: {  	v4 =	vld [tilespmem:s31+$0x10430]  }
0x5b: {  	v63 =	vld [tilespmem:s31+$0x10440]  }
0x5c: {  	v5 =	vld [tilespmem:s31+$0x10450]  }
0x5d: {  	v6 =	vld [tilespmem:s31+$0x10460]  }
0x5e: {  	v7 =	vld [tilespmem:s31+$0x10470]  }
0x5f: {  	v8 =	vld [tilespmem:s31+$0x10480]  }
0x60: {  	v9 =	vld [tilespmem:s31+$0x10490]  }
0x61: {  	v10 =	vld [tilespmem:s31+$0x104A0]  }
0x62: {  	v11 =	vld [tilespmem:s31+$0x104B0]  }
0x63: {  	v12 =	vld [tilespmem:s31+$0x104C0]  }
0x64: {  	v13 =	vld [tilespmem:s31+$0x104D0]  }
0x65: {  	v14 =	vld [tilespmem:s31+$0x104E0]  }
0x66: {  	[tilespmem:s31+$0x4F0] =	vst.add.f32.msk $0xffff, v0  }
0x67: {  	[tilespmem:s31+$0x400] =	vst.add.f32.msk $0xffff, v1  }
0x68: {  	[tilespmem:s31+$0x410] =	vst.add.f32.msk $0xffff, v2  }
0x69: {  	[tilespmem:s31+$0x420] =	vst.add.f32.msk $0xffff, v3  }
0x6a: {  	[tilespmem:s31+$0x430] =	vst.add.f32.msk $0xffff, v4  }
0x6b: {  	[tilespmem:s31+$0x440] =	vst.add.f32.msk $0xffff, v63  }
0x6c: {  	[tilespmem:s31+$0x450] =	vst.add.f32.msk $0xffff, v5  }
0x6d: {  	[tilespmem:s31+$0x460] =	vst.add.f32.msk $0xffff, v6  }
0x6e: {  	[tilespmem:s31+$0x470] =	vst.add.f32.msk $0xffff, v7  }
0x6f: {  	[tilespmem:s31+$0x480] =	vst.add.f32.msk $0xffff, v8  }
0x70: {  	[tilespmem:s31+$0x490] =	vst.add.f32.msk $0xffff, v9  }
0x71: {  	[tilespmem:s31+$0x4A0] =	vst.add.f32.msk $0xffff, v10  }
0x72: {  	[tilespmem:s31+$0x4B0] =	vst.add.f32.msk $0xffff, v11  }
0x73: {  	s30 =	sshll.u32 s29, $0x12;
	[tilespmem:s31+$0x4C0] =	vst.add.f32.msk $0xffff, v12  }
0x74: {  	s29 =	sor.u32 s6, s30;
	[tilespmem:s31+$0x4D0] =	vst.add.f32.msk $0xffff, v13  }
0x75: {  	s0 =	sadd.s32 s3, s29;
	[tilespmem:s31+$0x4E0] =	vst.add.f32.msk $0xffff, v14  }
0x76: {  	[hbm4b:s0+s4] =	stream.linear.scatter [tilespmem:s19], [sflag:$0x2], $0x4000, $0x38;
	[tilespmem:$0x18400] =	vst v63  }
0x77: {  	_ =	swait.ge [sflag:s25], $0x4000  }
0x78: {  	s2 =	simm.s32 @p0 $0x400;
	[sflag:s25] =	ssyncset.done $0x0  }
0x79: {  	s31 =	simm.s32 @p0 $0x200;
	s0 =	simm.s32 @p0 $0x80;
	[sflag:s25] =	ssyncadd.s32 $0xFFFFC000  }
0x7a: {  	[tilespmem:s2], [sflag:$0x1] =	stream.indirect.gather @p0 [hbm4b:s1+s0], $0x80, s31, s0, $0xb8;
	[tilespmem:$0x18400] =	vst v63  }
0x7b: {  	_ =	swait.ge [sflag:s24], $0x4000  }
0x7c: {  	[sflag:s24] =	ssyncset.done $0x0  }
0x7d: {  	s31 =	simm.s32 $0x0;
	s0 =	simm.s32 $0x400;
	[sflag:s24] =	ssyncadd.s32 $0xFFFFC000  }
.LBB2_5:
0x7e: {  	p1 =	sne.s32 s0, $0xFC00;
	v0 =	vld [tilespmem:s31+$0x144F0]  }
0x7f: {  	v1 =	vld [tilespmem:s31+$0x14400]  }
0x80: {  	v2 =	vld [tilespmem:s31+$0x14410]  }
0x81: {  	v3 =	vld [tilespmem:s31+$0x14420]  }
0x82: {  	v4 =	vld [tilespmem:s31+$0x14430]  }
0x83: {  	[tilespmem:s31+$0x44F0] =	vst.add.f32.msk $0xffff, v0  }
0x84: {  	v0 =	vld [tilespmem:s31+$0x14440]  }
0x85: {  	v5 =	vld [tilespmem:s31+$0x14450]  }
0x86: {  	v6 =	vld [tilespmem:s31+$0x14460]  }
0x87: {  	v7 =	vld [tilespmem:s31+$0x14470]  }
0x88: {  	v8 =	vld [tilespmem:s31+$0x14480]  }
0x89: {  	v9 =	vld [tilespmem:s31+$0x14490]  }
0x8a: {  	v10 =	vld [tilespmem:s31+$0x144A0]  }
0x8b: {  	v11 =	vld [tilespmem:s31+$0x144B0]  }
0x8c: {  	v12 =	vld [tilespmem:s31+$0x144C0]  }
0x8d: {  	v13 =	vld [tilespmem:s31+$0x144D0]  }
0x8e: {  	v14 =	vld [tilespmem:s31+$0x144E0]  }
0x8f: {  	[tilespmem:s31+$0x4400] =	vst.add.f32.msk $0xffff, v1  }
0x90: {  	[tilespmem:s31+$0x4410] =	vst.add.f32.msk $0xffff, v2  }
0x91: {  	[tilespmem:s31+$0x4420] =	vst.add.f32.msk $0xffff, v3  }
0x92: {  	[tilespmem:s31+$0x4430] =	vst.add.f32.msk $0xffff, v4  }
0x93: {  	[tilespmem:s31+$0x4440] =	vst.add.f32.msk $0xffff, v0  }
0x94: {  	[tilespmem:s31+$0x4450] =	vst.add.f32.msk $0xffff, v5  }
0x95: {  	[tilespmem:s31+$0x4460] =	vst.add.f32.msk $0xffff, v6  }
0x96: {  	[tilespmem:s31+$0x4470] =	vst.add.f32.msk $0xffff, v7  }
0x97: {  	[tilespmem:s31+$0x4480] =	vst.add.f32.msk $0xffff, v8  }
0x98: {  	[tilespmem:s31+$0x4490] =	vst.add.f32.msk $0xffff, v9  }
.Ltmp1:
0x99: {  	[tilespmem:s31+$0x44A0] =	vst.add.f32.msk $0xffff, v10;
	(pc) =	sbr.rel @p1 .LBB2_5-.Ltmp1, $4  }
0x9a: {  	[tilespmem:s31+$0x44B0] =	vst.add.f32.msk $0xffff, v11  }
0x9b: {  	[tilespmem:s31+$0x44C0] =	vst.add.f32.msk $0xffff, v12  }
0x9c: {  	[tilespmem:s31+$0x44D0] =	vst.add.f32.msk $0xffff, v13  }
0x9d: {  	[tilespmem:s31+$0x44E0] =	vst.add.f32.msk $0xffff, v14;
	s31 =	sshra.s32 s0, $0x2;
	s0 =	sadd.s32 $0x400, s0  }
0x9e: {  	v0 =	vld [tilespmem:s31+$0x144F0]  }
0x9f: {  	v1 =	vld [tilespmem:s31+$0x14400]  }
0xa0: {  	v2 =	vld [tilespmem:s31+$0x14410]  }
0xa1: {  	v3 =	vld [tilespmem:s31+$0x14420]  }
0xa2: {  	v4 =	vld [tilespmem:s31+$0x14430]  }
0xa3: {  	v63 =	vld [tilespmem:s31+$0x14440]  }
0xa4: {  	v5 =	vld [tilespmem:s31+$0x14450]  }
0xa5: {  	v6 =	vld [tilespmem:s31+$0x14460]  }
0xa6: {  	v7 =	vld [tilespmem:s31+$0x14470]  }
0xa7: {  	v8 =	vld [tilespmem:s31+$0x14480]  }
0xa8: {  	v9 =	vld [tilespmem:s31+$0x14490]  }
0xa9: {  	v10 =	vld [tilespmem:s31+$0x144A0]  }
0xaa: {  	v11 =	vld [tilespmem:s31+$0x144B0]  }
0xab: {  	v12 =	vld [tilespmem:s31+$0x144C0]  }
0xac: {  	v13 =	vld [tilespmem:s31+$0x144D0]  }
0xad: {  	v14 =	vld [tilespmem:s31+$0x144E0]  }
0xae: {  	[tilespmem:s31+$0x44F0] =	vst.add.f32.msk $0xffff, v0  }
0xaf: {  	[tilespmem:s31+$0x4400] =	vst.add.f32.msk $0xffff, v1  }
0xb0: {  	[tilespmem:s31+$0x4410] =	vst.add.f32.msk $0xffff, v2  }
0xb1: {  	[tilespmem:s31+$0x4420] =	vst.add.f32.msk $0xffff, v3  }
0xb2: {  	[tilespmem:s31+$0x4430] =	vst.add.f32.msk $0xffff, v4  }
0xb3: {  	[tilespmem:s31+$0x4440] =	vst.add.f32.msk $0xffff, v63  }
0xb4: {  	[tilespmem:s31+$0x4450] =	vst.add.f32.msk $0xffff, v5  }
0xb5: {  	[tilespmem:s31+$0x4460] =	vst.add.f32.msk $0xffff, v6  }
0xb6: {  	[tilespmem:s31+$0x4470] =	vst.add.f32.msk $0xffff, v7  }
0xb7: {  	[tilespmem:s31+$0x4480] =	vst.add.f32.msk $0xffff, v8  }
0xb8: {  	[tilespmem:s31+$0x4490] =	vst.add.f32.msk $0xffff, v9  }
0xb9: {  	[tilespmem:s31+$0x44A0] =	vst.add.f32.msk $0xffff, v10  }
0xba: {  	[tilespmem:s31+$0x44B0] =	vst.add.f32.msk $0xffff, v11  }
0xbb: {  	[tilespmem:s31+$0x44C0] =	vst.add.f32.msk $0xffff, v12  }
0xbc: {  	[tilespmem:s31+$0x44D0] =	vst.add.f32.msk $0xffff, v13  }
0xbd: {  	s0 =	sadd.s32 s30, s11;
	[tilespmem:s31+$0x44E0] =	vst.add.f32.msk $0xffff, v14  }
0xbe: {  	[hbm4b:s0+s4] =	stream.linear.scatter [tilespmem:s20], [sflag:$0x2], $0x4000, $0x38;
	[tilespmem:$0x18400] =	vst v63  }
0xbf: {  	_ =	swait.ge [sflag:s25], $0x4000  }
0xc0: {  	s2 =	simm.s32 @p0 $0x280;
	[sflag:s25] =	ssyncset.done $0x0  }
0xc1: {  	s30 =	simm.s32 @p0 $0x4400;
	s0 =	simm.s32 @p0 $0x80;
	[sflag:s25] =	ssyncadd.s32 $0xFFFFC000  }
0xc2: {  	[tilespmem:s30], [sflag:$0x1] =	stream.indirect.gather @p0 [hbm4b:s1+s0], $0x80, s2, s0, $0xb8;
	[tilespmem:$0x18400] =	vst v63  }
0xc3: {  	_ =	swait.ge [sflag:s24], $0x4000  }
0xc4: {  	[sflag:s24] =	ssyncset.done $0x0  }
0xc5: {  	s30 =	simm.s32 $0x0;
	s0 =	simm.s32 $0x400;
	[sflag:s24] =	ssyncadd.s32 $0xFFFFC000  }
.LBB2_7:
0xc6: {  	p1 =	sne.s32 s0, $0xFC00;
	v0 =	vld [tilespmem:s30+$0x104F0]  }
0xc7: {  	v1 =	vld [tilespmem:s30+$0x10400]  }
0xc8: {  	v2 =	vld [tilespmem:s30+$0x10410]  }
0xc9: {  	v3 =	vld [tilespmem:s30+$0x10420]  }
0xca: {  	v4 =	vld [tilespmem:s30+$0x10430]  }
0xcb: {  	[tilespmem:s30+$0x84F0] =	vst.add.f32.msk $0xffff, v0  }
0xcc: {  	v0 =	vld [tilespmem:s30+$0x10440]  }
0xcd: {  	v5 =	vld [tilespmem:s30+$0x10450]  }
0xce: {  	v6 =	vld [tilespmem:s30+$0x10460]  }
0xcf: {  	v7 =	vld [tilespmem:s30+$0x10470]  }
0xd0: {  	v8 =	vld [tilespmem:s30+$0x10480]  }
0xd1: {  	v9 =	vld [tilespmem:s30+$0x10490]  }
0xd2: {  	v10 =	vld [tilespmem:s30+$0x104A0]  }
0xd3: {  	v11 =	vld [tilespmem:s30+$0x104B0]  }
0xd4: {  	v12 =	vld [tilespmem:s30+$0x104C0]  }
0xd5: {  	v13 =	vld [tilespmem:s30+$0x104D0]  }
0xd6: {  	v14 =	vld [tilespmem:s30+$0x104E0]  }
0xd7: {  	[tilespmem:s30+$0x8400] =	vst.add.f32.msk $0xffff, v1  }
0xd8: {  	[tilespmem:s30+$0x8410] =	vst.add.f32.msk $0xffff, v2  }
0xd9: {  	[tilespmem:s30+$0x8420] =	vst.add.f32.msk $0xffff, v3  }
0xda: {  	[tilespmem:s30+$0x8430] =	vst.add.f32.msk $0xffff, v4  }
0xdb: {  	[tilespmem:s30+$0x8440] =	vst.add.f32.msk $0xffff, v0  }
0xdc: {  	[tilespmem:s30+$0x8450] =	vst.add.f32.msk $0xffff, v5  }
0xdd: {  	[tilespmem:s30+$0x8460] =	vst.add.f32.msk $0xffff, v6  }
0xde: {  	[tilespmem:s30+$0x8470] =	vst.add.f32.msk $0xffff, v7  }
0xdf: {  	[tilespmem:s30+$0x8480] =	vst.add.f32.msk $0xffff, v8  }
0xe0: {  	[tilespmem:s30+$0x8490] =	vst.add.f32.msk $0xffff, v9  }
.Ltmp2:
0xe1: {  	[tilespmem:s30+$0x84A0] =	vst.add.f32.msk $0xffff, v10;
	(pc) =	sbr.rel @p1 .LBB2_7-.Ltmp2, $4  }
0xe2: {  	[tilespmem:s30+$0x84B0] =	vst.add.f32.msk $0xffff, v11  }
0xe3: {  	[tilespmem:s30+$0x84C0] =	vst.add.f32.msk $0xffff, v12  }
0xe4: {  	[tilespmem:s30+$0x84D0] =	vst.add.f32.msk $0xffff, v13  }
0xe5: {  	[tilespmem:s30+$0x84E0] =	vst.add.f32.msk $0xffff, v14;
	s30 =	sshra.s32 s0, $0x2;
	s0 =	sadd.s32 $0x400, s0  }
0xe6: {  	v0 =	vld [tilespmem:s30+$0x104F0]  }
0xe7: {  	v1 =	vld [tilespmem:s30+$0x10400]  }
0xe8: {  	v2 =	vld [tilespmem:s30+$0x10410]  }
0xe9: {  	v3 =	vld [tilespmem:s30+$0x10420]  }
0xea: {  	v4 =	vld [tilespmem:s30+$0x10430]  }
0xeb: {  	v63 =	vld [tilespmem:s30+$0x10440]  }
0xec: {  	v5 =	vld [tilespmem:s30+$0x10450]  }
0xed: {  	v6 =	vld [tilespmem:s30+$0x10460]  }
0xee: {  	v7 =	vld [tilespmem:s30+$0x10470]  }
0xef: {  	v8 =	vld [tilespmem:s30+$0x10480]  }
0xf0: {  	v9 =	vld [tilespmem:s30+$0x10490]  }
0xf1: {  	v10 =	vld [tilespmem:s30+$0x104A0]  }
0xf2: {  	v11 =	vld [tilespmem:s30+$0x104B0]  }
0xf3: {  	v12 =	vld [tilespmem:s30+$0x104C0]  }
0xf4: {  	v13 =	vld [tilespmem:s30+$0x104D0]  }
0xf5: {  	v14 =	vld [tilespmem:s30+$0x104E0]  }
0xf6: {  	[tilespmem:s30+$0x84F0] =	vst.add.f32.msk $0xffff, v0  }
0xf7: {  	[tilespmem:s30+$0x8400] =	vst.add.f32.msk $0xffff, v1  }
0xf8: {  	[tilespmem:s30+$0x8410] =	vst.add.f32.msk $0xffff, v2  }
0xf9: {  	[tilespmem:s30+$0x8420] =	vst.add.f32.msk $0xffff, v3  }
0xfa: {  	[tilespmem:s30+$0x8430] =	vst.add.f32.msk $0xffff, v4  }
0xfb: {  	[tilespmem:s30+$0x8440] =	vst.add.f32.msk $0xffff, v63  }
0xfc: {  	[tilespmem:s30+$0x8450] =	vst.add.f32.msk $0xffff, v5  }
0xfd: {  	[tilespmem:s30+$0x8460] =	vst.add.f32.msk $0xffff, v6  }
0xfe: {  	[tilespmem:s30+$0x8470] =	vst.add.f32.msk $0xffff, v7  }
0xff: {  	[tilespmem:s30+$0x8480] =	vst.add.f32.msk $0xffff, v8  }
0x100: {  	[tilespmem:s30+$0x8490] =	vst.add.f32.msk $0xffff, v9  }
0x101: {  	[tilespmem:s30+$0x84A0] =	vst.add.f32.msk $0xffff, v10  }
0x102: {  	[tilespmem:s30+$0x84B0] =	vst.add.f32.msk $0xffff, v11  }
0x103: {  	[tilespmem:s30+$0x84C0] =	vst.add.f32.msk $0xffff, v12  }
0x104: {  	[tilespmem:s30+$0x84D0] =	vst.add.f32.msk $0xffff, v13  }
0x105: {  	s0 =	sadd.s32 s29, s12;
	[tilespmem:s30+$0x84E0] =	vst.add.f32.msk $0xffff, v14  }
0x106: {  	[hbm4b:s0+s4] =	stream.linear.scatter [tilespmem:s21], [sflag:$0x2], $0x4000, $0x38;
	[tilespmem:$0x18400] =	vst v63  }
0x107: {  	_ =	swait.ge [sflag:s25], $0x4000  }
0x108: {  	s2 =	simm.s32 @p0 $0x300;
	[sflag:s25] =	ssyncset.done $0x0  }
0x109: {  	s29 =	simm.s32 @p0 $0x8400;
	s0 =	simm.s32 @p0 $0x80;
	[sflag:s25] =	ssyncadd.s32 $0xFFFFC000  }
0x10a: {  	[tilespmem:s29], [sflag:$0x1] =	stream.indirect.gather @p0 [hbm4b:s1+s0], $0x80, s2, s0, $0xb8;
	[tilespmem:$0x18400] =	vst v63  }
0x10b: {  	_ =	swait.ge [sflag:s24], $0x4000  }
0x10c: {  	[sflag:s24] =	ssyncset.done $0x0  }
0x10d: {  	s29 =	simm.s32 $0x0;
	s0 =	simm.s32 $0x400;
	[sflag:s24] =	ssyncadd.s32 $0xFFFFC000  }
.LBB2_9:
0x10e: {  	p1 =	sne.s32 s0, $0xFC00;
	v0 =	vld [tilespmem:s29+$0x144F0]  }
0x10f: {  	v1 =	vld [tilespmem:s29+$0x14400]  }
0x110: {  	v2 =	vld [tilespmem:s29+$0x14410]  }
0x111: {  	v3 =	vld [tilespmem:s29+$0x14420]  }
0x112: {  	v4 =	vld [tilespmem:s29+$0x14430]  }
0x113: {  	[tilespmem:s29+$0xC4F0] =	vst.add.f32.msk $0xffff, v0  }
0x114: {  	v0 =	vld [tilespmem:s29+$0x14440]  }
0x115: {  	v5 =	vld [tilespmem:s29+$0x14450]  }
0x116: {  	v6 =	vld [tilespmem:s29+$0x14460]  }
0x117: {  	v7 =	vld [tilespmem:s29+$0x14470]  }
0x118: {  	v8 =	vld [tilespmem:s29+$0x14480]  }
0x119: {  	v9 =	vld [tilespmem:s29+$0x14490]  }
0x11a: {  	v10 =	vld [tilespmem:s29+$0x144A0]  }
0x11b: {  	v11 =	vld [tilespmem:s29+$0x144B0]  }
0x11c: {  	v12 =	vld [tilespmem:s29+$0x144C0]  }
0x11d: {  	v13 =	vld [tilespmem:s29+$0x144D0]  }
0x11e: {  	v14 =	vld [tilespmem:s29+$0x144E0]  }
0x11f: {  	[tilespmem:s29+$0xC400] =	vst.add.f32.msk $0xffff, v1  }
0x120: {  	[tilespmem:s29+$0xC410] =	vst.add.f32.msk $0xffff, v2  }
0x121: {  	[tilespmem:s29+$0xC420] =	vst.add.f32.msk $0xffff, v3  }
0x122: {  	[tilespmem:s29+$0xC430] =	vst.add.f32.msk $0xffff, v4  }
0x123: {  	[tilespmem:s29+$0xC440] =	vst.add.f32.msk $0xffff, v0  }
0x124: {  	[tilespmem:s29+$0xC450] =	vst.add.f32.msk $0xffff, v5  }
0x125: {  	[tilespmem:s29+$0xC460] =	vst.add.f32.msk $0xffff, v6  }
0x126: {  	[tilespmem:s29+$0xC470] =	vst.add.f32.msk $0xffff, v7  }
0x127: {  	[tilespmem:s29+$0xC480] =	vst.add.f32.msk $0xffff, v8  }
0x128: {  	[tilespmem:s29+$0xC490] =	vst.add.f32.msk $0xffff, v9  }
.Ltmp3:
0x129: {  	[tilespmem:s29+$0xC4A0] =	vst.add.f32.msk $0xffff, v10;
	(pc) =	sbr.rel @p1 .LBB2_9-.Ltmp3, $4  }
0x12a: {  	[tilespmem:s29+$0xC4B0] =	vst.add.f32.msk $0xffff, v11  }
0x12b: {  	[tilespmem:s29+$0xC4C0] =	vst.add.f32.msk $0xffff, v12  }
0x12c: {  	[tilespmem:s29+$0xC4D0] =	vst.add.f32.msk $0xffff, v13  }
0x12d: {  	[tilespmem:s29+$0xC4E0] =	vst.add.f32.msk $0xffff, v14;
	s29 =	sshra.s32 s0, $0x2;
	s0 =	sadd.s32 $0x400, s0  }
0x12e: {  	v0 =	vld [tilespmem:s29+$0x144F0]  }
0x12f: {  	v1 =	vld [tilespmem:s29+$0x14400]  }
0x130: {  	v2 =	vld [tilespmem:s29+$0x14410]  }
0x131: {  	v3 =	vld [tilespmem:s29+$0x14420]  }
0x132: {  	v4 =	vld [tilespmem:s29+$0x14430]  }
0x133: {  	v63 =	vld [tilespmem:s29+$0x14440]  }
0x134: {  	v5 =	vld [tilespmem:s29+$0x14450]  }
0x135: {  	v6 =	vld [tilespmem:s29+$0x14460]  }
0x136: {  	v7 =	vld [tilespmem:s29+$0x14470]  }
0x137: {  	v8 =	vld [tilespmem:s29+$0x14480]  }
0x138: {  	v9 =	vld [tilespmem:s29+$0x14490]  }
0x139: {  	v10 =	vld [tilespmem:s29+$0x144A0]  }
0x13a: {  	v11 =	vld [tilespmem:s29+$0x144B0]  }
0x13b: {  	v12 =	vld [tilespmem:s29+$0x144C0]  }
0x13c: {  	v13 =	vld [tilespmem:s29+$0x144D0]  }
0x13d: {  	v14 =	vld [tilespmem:s29+$0x144E0]  }
0x13e: {  	[tilespmem:s29+$0xC4F0] =	vst.add.f32.msk $0xffff, v0  }
0x13f: {  	[tilespmem:s29+$0xC400] =	vst.add.f32.msk $0xffff, v1  }
0x140: {  	[tilespmem:s29+$0xC410] =	vst.add.f32.msk $0xffff, v2  }
0x141: {  	[tilespmem:s29+$0xC420] =	vst.add.f32.msk $0xffff, v3  }
0x142: {  	[tilespmem:s29+$0xC430] =	vst.add.f32.msk $0xffff, v4  }
0x143: {  	[tilespmem:s29+$0xC440] =	vst.add.f32.msk $0xffff, v63  }
0x144: {  	[tilespmem:s29+$0xC450] =	vst.add.f32.msk $0xffff, v5  }
0x145: {  	[tilespmem:s29+$0xC460] =	vst.add.f32.msk $0xffff, v6  }
0x146: {  	[tilespmem:s29+$0xC470] =	vst.add.f32.msk $0xffff, v7  }
0x147: {  	[tilespmem:s29+$0xC480] =	vst.add.f32.msk $0xffff, v8  }
0x148: {  	[tilespmem:s29+$0xC490] =	vst.add.f32.msk $0xffff, v9  }
0x149: {  	[tilespmem:s29+$0xC4A0] =	vst.add.f32.msk $0xffff, v10  }
.Ltmp4:
0x14a: {  	[tilespmem:s29+$0xC4B0] =	vst.add.f32.msk $0xffff, v11;
	(pc) =	sbr.rel @p0 .LBB2_2-.Ltmp4, $4  }
0x14b: {  	s0 =	sshll.u32 s28, $0x10;
	[tilespmem:s29+$0xC4C0] =	vst.add.f32.msk $0xffff, v12  }
0x14c: {  	p1 =	por $0x0, $0x0;
	s0 =	sand.u32 $0x60000, s0;
	[tilespmem:s29+$0xC4D0] =	vst.add.f32.msk $0xffff, v13  }
0x14d: {  	p2 =	por $0x1, $0x1;
	s0 =	sadd.s32 s0, s11;
	[tilespmem:s29+$0xC4E0] =	vst.add.f32.msk $0xffff, v14;
	s29 =	simm.s32 $0x1  }
0x14e: {  	[hbm4b:s0+s4] =	stream.linear.scatter [tilespmem:s23], [sflag:$0x2], $0x4000, $0x38;
	[tilespmem:$0x18400] =	vst v63  }
0x14f: {  	s26 =	sadd.s32 $0x1, s26  }
0x150: {  	p0 =	sne.s32 s26, s13  }
.Ltmp5:
0x151: {  	_ = 	snop;
	(pc) =	sbr.rel @p0 .LBB2_1-.Ltmp5, $4  }
0x152: {  	_ = 	snop  }
0x153: {  	_ =	swait.ge [sflag:s25], $0x4000  }
0x154: {  	[sflag:s25] =	ssyncset.done $0x0  }
0x155: {  	[sflag:s25] =	ssyncadd.s32 $0xFFFFC000  }
0x156: {  	_ =	sfence.sel $0x180000  }
0x157: {  	[bflag:$0x0] =	sbarrier.arrive $0xFFFF  }
0x158: {  	_ =	strace $0x90000047  }
0x159: {  	s0 =	stileid.u32;
	[bflag:$0x2] =	sbarrier.arrive $0xFFFF  }
0x15a: {  	p0 =	sne.s32 s0, $0x0;
	s0 =	rddreg [dreg:$0x4]  }
0x15b: {  	s0 =	sadd.s32 @!p0 $0x100000, s0  }
0x15c: {  	[sflag:s0] =	ssyncadd.tile.s32 @!p0 $0x1;
	_ =	shalt  }
.Lfunc_end2:
_tile_overlayer_lowered:
.L_overlay_start_2:
0x15d: {  	(tag) =	ssettag $0x2  }
0x15e: {  	s0 =	rddreg [dreg:$0x0];
	s2 =	stileid.u32  }
0x15f: {  	s1 =	rddreg [dreg:$0x1];
	p0 =	sne.s32 s2, $0x0  }
0x160: {  	s3 =	rddreg [dreg:$0x2];
	[bflag:$0x3] =	sbarrier.arrive $0xFFFF;
	s2 =	simm.s32 @!p0 $0x1C04  }
0x161: {  	[timem:s3], [sflag:s2] =	dma.local @!p0 [hbm:s0], s1  }
0x162: {  	s0 =	simm.s32 @!p0 $0x4  }
0x163: {  	_ =	swait.ge @!p0 [sflag:s0], s1  }
0x164: {  	s1 =	ssub.s32 @!p0 $0x0, s1;
	[sflag:s0] =	ssyncset.done @!p0 $0x0  }
0x165: {  	[sflag:s0] =	ssyncadd.s32 @!p0 s1  }
0x166: {  	[bflag:$0x3] =	sbarrier.arrive $0xFFFF  }
0x167: {  	_ =	shalt  }

</sc_bundles>
